<compile_context>
chip_gen: v7x
topology: tpu7x:2x2x1
jax: 0.10.2.dev20260603
libtpu: 0.0.44.dev20260713+nightly
codegen_flags: <defaults>
</compile_context>

<pallas_src>
import functools

import jax
import jax.numpy as jnp
from jax import lax
from jax.experimental import pallas as pl
from jax.experimental.pallas import tpu as pltpu
from jax.experimental.pallas import tpu_sc as plsc

N_TOK = 16384
D = 128
N_BITS = 17

BUCKET_SHIFT = 10
N_BUCKETS = 1 << (N_BITS - BUCKET_SHIFT)

SC_CORES = 2
SC_SUBCORES = 16
SC_WORKERS = SC_CORES * SC_SUBCORES
ROWS_PER_WORKER = N_TOK // SC_WORKERS
GATHER_CHUNK = 128
N_CHUNKS = ROWS_PER_WORKER // GATHER_CHUNK

DENSE_BLK = 1024
CMB_BLK = 512
N_CMB = N_TOK // CMB_BLK
ST_W = 256


def _dense_body(x_ref, wkT_ref, bk_ref, wvT_ref, bv_ref, wcT_ref, bc_ref,
                w1T_ref, b1_ref, w2_ref, b2_ref, p_ref,
                vals_ref, g_ref, idx_ref, cnt_ref):
    xb = x_ref[...]
    keys = jnp.dot(xb, wkT_ref[...],
                   preferred_element_type=jnp.float32) + bk_ref[...]
    vals = jnp.dot(xb, wvT_ref[...],
                   preferred_element_type=jnp.float32) + bv_ref[...]
    ctx = jnp.dot(xb, wcT_ref[...],
                  preferred_element_type=jnp.float32) + bc_ref[...]
    h = jax.nn.relu(jnp.dot(ctx, w1T_ref[...],
                            preferred_element_type=jnp.float32) + b1_ref[...])
    glogit = jnp.sum(h * w2_ref[...], axis=1, keepdims=True) + b2_ref[...]
    g = jax.nn.sigmoid(glogit)
    s = jnp.dot(keys, p_ref[...],
                preferred_element_type=jnp.float32)
    bits = (s > 0.0).astype(jnp.int32)
    powers = jnp.left_shift(
        1, lax.broadcasted_iota(jnp.int32, (1, N_BITS), 1))
    idx = jnp.sum(bits * powers, axis=1, keepdims=True)
    vals_ref[...] = vals
    g_ref[...] = g
    idx_ref[...] = idx
    b = idx >> BUCKET_SHIFT
    iota_b = lax.broadcasted_iota(jnp.int32, (1, N_BUCKETS), 1)
    oh = jnp.where(b == iota_b, 1.0, 0.0)
    c0 = jnp.sum(oh[:CMB_BLK], axis=0, keepdims=True)
    c1 = jnp.sum(oh[CMB_BLK:], axis=0, keepdims=True)
    cnt_ref[...] = jnp.concatenate([c0, c1], axis=0).reshape(1, 2, N_BUCKETS)


def _dense_proj(x, WkT, bk, WvT, bv, WcT, bc, W1T, b1, W2r, b2, P):
    n_blk = N_TOK // DENSE_BLK
    full = lambda shape: pl.BlockSpec(shape, lambda i: (0, 0))
    return pl.pallas_call(
        _dense_body,
        grid=(n_blk,),
        in_specs=[
            pl.BlockSpec((DENSE_BLK, D), lambda i: (i, 0)),
            full(WkT.shape), full(bk.shape),
            full(WvT.shape), full(bv.shape),
            full(WcT.shape), full(bc.shape),
            full(W1T.shape), full(b1.shape),
            full(W2r.shape), full(b2.shape),
            full(P.shape),
        ],
        out_specs=[
            pl.BlockSpec((DENSE_BLK, D), lambda i: (i, 0)),
            pl.BlockSpec((DENSE_BLK, 1), lambda i: (i, 0)),
            pl.BlockSpec((DENSE_BLK, 1), lambda i: (i, 0)),
            pl.BlockSpec((1, 2, N_BUCKETS), lambda i: (i, 0, 0)),
        ],
        out_shape=[
            jax.ShapeDtypeStruct((N_TOK, D), jnp.float32),
            jax.ShapeDtypeStruct((N_TOK, 1), jnp.float32),
            jax.ShapeDtypeStruct((N_TOK, 1), jnp.int32),
            jax.ShapeDtypeStruct((n_blk, 2, N_BUCKETS), jnp.float32),
        ],
    )(x, WkT, bk, WvT, bv, WcT, bc, W1T, b1, W2r, b2, P)


def _sc_gather_kernel(table_hbm, idx_hbm, out_hbm, idx_v, rows_v, sem):
    wid = lax.axis_index("s") * SC_CORES + lax.axis_index("c")
    base = wid * ROWS_PER_WORKER
    pltpu.sync_copy(idx_hbm.at[pl.ds(wid * N_CHUNKS, N_CHUNKS)], idx_v)
    cps = [pltpu.async_copy(
               table_hbm.at[idx_v.at[c]],
               rows_v.at[pl.ds(c * GATHER_CHUNK, GATHER_CHUNK)],
               sem)
           for c in range(N_CHUNKS)]
    for cp in cps:
        cp.wait()
    pltpu.sync_copy(rows_v, out_hbm.at[pl.ds(base, ROWS_PER_WORKER)])


def _sc_gather(table, idx_mat):
    mesh = plsc.VectorSubcoreMesh(core_axis_name="c", subcore_axis_name="s")
    kern = functools.partial(
        pl.kernel,
        mesh=mesh,
        out_type=jax.ShapeDtypeStruct((N_TOK, D), jnp.float32),
        scratch_types=[
            pltpu.VMEM((N_CHUNKS, GATHER_CHUNK), jnp.int32),
            pltpu.VMEM((ROWS_PER_WORKER, D), jnp.float32),
            pltpu.SemaphoreType.DMA,
        ],
    )(_sc_gather_kernel)
    return kern(table, idx_mat)


def _sc_stage_kernel(table_hbm, idx_hbm, src_hbm, pos_hbm,
                     st_hbm, rdp_hbm, idx_v, pos_v, rows_v, st_v,
                     sem_a, sem_b):
    wid = lax.axis_index("s") * SC_CORES + lax.axis_index("c")
    base = wid * ROWS_PER_WORKER
    pltpu.sync_copy(idx_hbm.at[pl.ds(wid * N_CHUNKS, N_CHUNKS)], idx_v)
    pltpu.sync_copy(pos_hbm.at[pl.ds(wid * N_CHUNKS, N_CHUNKS)], pos_v)
    for h in range(2):
        ga = [pltpu.async_copy(
                  table_hbm.at[idx_v.at[h * 2 + c]],
                  rows_v.at[pl.ds(c * GATHER_CHUNK, GATHER_CHUNK)],
                  sem_a)
              for c in range(2)]
        ld = pltpu.async_copy(
            src_hbm.at[pl.ds(base + h * 2 * GATHER_CHUNK, 2 * GATHER_CHUNK)],
            st_v, sem_b)
        for c in range(2):
            ga[c].wait()
        sa = [pltpu.async_copy(
                  rows_v.at[pl.ds(c * GATHER_CHUNK, GATHER_CHUNK)],
                  rdp_hbm.at[pos_v.at[h * 2 + c]],
                  sem_a)
              for c in range(2)]
        ld.wait()
        sb = [pltpu.async_copy(
                  st_v.at[pl.ds(c * GATHER_CHUNK, GATHER_CHUNK)],
                  st_hbm.at[pos_v.at[h * 2 + c]],
                  sem_b)
              for c in range(2)]
        for c in range(2):
            sa[c].wait()
            sb[c].wait()


def _sc_stage(V_mem, idx_mat, src, pos_mat):
    mesh = plsc.VectorSubcoreMesh(core_axis_name="c", subcore_axis_name="s")
    kern = functools.partial(
        pl.kernel,
        mesh=mesh,
        out_type=[
            jax.ShapeDtypeStruct((N_TOK, ST_W), jnp.float32),
            jax.ShapeDtypeStruct((N_TOK, D), jnp.float32),
        ],
        scratch_types=[
            pltpu.VMEM((N_CHUNKS, GATHER_CHUNK), jnp.int32),
            pltpu.VMEM((N_CHUNKS, GATHER_CHUNK), jnp.int32),
            pltpu.VMEM((2 * GATHER_CHUNK, D), jnp.float32),
            pltpu.VMEM((2 * GATHER_CHUNK, ST_W), jnp.float32),
            pltpu.SemaphoreType.DMA,
            pltpu.SemaphoreType.DMA,
        ],
    )(_sc_stage_kernel)
    return kern(V_mem, idx_mat, src, pos_mat)


def _p2_body(cnt_ref, base_ref, jlo_ref, jhi_ref):
    def row(b, acc):
        base_ref[pl.ds(b, 1), :, :] = acc.reshape(1, 1, N_BUCKETS)
        return acc + cnt_ref[pl.ds(b, 1), :]

    colsum = lax.fori_loop(0, N_CMB, row,
                           jnp.zeros((1, N_BUCKETS), jnp.float32))
    iota_b = lax.broadcasted_iota(jnp.int32, (1, N_BUCKETS), 1)
    incl = colsum
    sh = 1
    while sh < N_BUCKETS:
        rolled = pltpu.roll(incl, sh, 1)
        incl = incl + jnp.where(iota_b >= sh, rolled, 0.0)
        sh *= 2
    off = jnp.where(iota_b >= 1, pltpu.roll(incl, 1, 1), 0.0)
    base_ref[...] += off.reshape(1, 1, N_BUCKETS)
    rowstart = 512.0 * lax.broadcasted_iota(
        jnp.int32, (N_CMB, 1), 0).astype(jnp.float32)
    hit = jnp.logical_and(off < rowstart + 512.0,
                          off + colsum > rowstart)
    kjlo = jnp.floor(off * (1.0 / 512.0))
    kjhi = jnp.floor((off + colsum - 1.0) * (1.0 / 512.0))
    jlo = jnp.min(jnp.where(hit, kjlo, float(N_CMB)), axis=1, keepdims=True)
    jhi = jnp.max(jnp.where(hit, kjhi, -1.0), axis=1, keepdims=True)
    jlo_ref[...] = jlo.astype(jnp.int32)
    jhi_ref[...] = jhi.astype(jnp.int32)


def _p2(cnt):
    return pl.pallas_call(
        _p2_body,
        grid=(1,),
        in_specs=[pl.BlockSpec((N_CMB, N_BUCKETS), lambda i: (0, 0))],
        out_specs=[
            pl.BlockSpec((N_CMB, 1, N_BUCKETS), lambda i: (0, 0, 0)),
            pl.BlockSpec((N_CMB, 1), lambda i: (0, 0)),
            pl.BlockSpec((N_CMB, 1), lambda i: (0, 0)),
        ],
        out_shape=[
            jax.ShapeDtypeStruct((N_CMB, 1, N_BUCKETS), jnp.float32),
            jax.ShapeDtypeStruct((N_CMB, 1), jnp.int32),
            jax.ShapeDtypeStruct((N_CMB, 1), jnp.int32),
        ],
    )(cnt)


def _p3_body(idx_ref, g_ref, vals_ref, base_ref, st_ref, pos_ref):
    idx = idx_ref[...]
    b = idx >> BUCKET_SHIFT
    iota_b = lax.broadcasted_iota(jnp.int32, (1, N_BUCKETS), 1)
    oh_f = jnp.where(b == iota_b, 1.0, 0.0)
    oh_b = oh_f.astype(jnp.bfloat16)
    r_io = lax.broadcasted_iota(jnp.int32, (CMB_BLK, 1), 0)
    c_io = lax.broadcasted_iota(jnp.int32, (1, CMB_BLK), 1)
    ls = jnp.where(r_io > c_io, 1.0, 0.0).astype(jnp.bfloat16)
    rank_mat = jnp.dot(ls, oh_b, preferred_element_type=jnp.float32)
    rank = jnp.sum(rank_mat * oh_f, axis=1, keepdims=True)
    base_row = base_ref[...].reshape(1, N_BUCKETS)
    base_sel = jnp.sum(base_row * oh_f, axis=1, keepdims=True)
    pos_ref[...] = (base_sel + rank).astype(jnp.int32)
    pad = jnp.zeros((CMB_BLK, ST_W - D - 2), jnp.float32)
    st_ref[...] = jnp.concatenate(
        [vals_ref[...], idx.astype(jnp.float32), g_ref[...], pad], axis=1)


def _p3(idx, g, vals, base):
    return pl.pallas_call(
        _p3_body,
        grid=(N_CMB,),
        in_specs=[
            pl.BlockSpec((CMB_BLK, 1), lambda i: (i, 0)),
            pl.BlockSpec((CMB_BLK, 1), lambda i: (i, 0)),
            pl.BlockSpec((CMB_BLK, D), lambda i: (i, 0)),
            pl.BlockSpec((1, 1, N_BUCKETS), lambda i: (i, 0, 0)),
        ],
        out_specs=[
            pl.BlockSpec((CMB_BLK, ST_W), lambda i: (i, 0)),
            pl.BlockSpec((CMB_BLK, 1), lambda i: (i, 0)),
        ],
        out_shape=[
            jax.ShapeDtypeStruct((N_TOK, ST_W), jnp.float32),
            jax.ShapeDtypeStruct((N_TOK, 1), jnp.int32),
        ],
    )(idx, g, vals, base)


def _bits_of(idx_f):
    ii = idx_f.astype(jnp.int32)
    iota = lax.broadcasted_iota(jnp.int32, (1, N_BITS), 1)
    bits = jnp.where(jnp.bitwise_and(ii >> iota, 1) == 1, 1.0, 0.0)
    return bits, jnp.sum(bits, axis=1, keepdims=True)


def _combine_body(jlo_ref, jhi_ref, st_ref, rdp_ref, out_ref, acc_ref):
    i = pl.program_id(0)
    sti = st_ref[pl.ds(i * CMB_BLK, CMB_BLK), :]
    bits_i, s_i = _bits_of(sti[:, D:D + 1])
    ua_i = jnp.concatenate(
        [2.0 * bits_i, jnp.ones((CMB_BLK, 1), jnp.float32)],
        axis=1).astype(jnp.bfloat16)
    acc_ref[...] = jnp.zeros((CMB_BLK, 2 * D), jnp.float32)

    def jbody(j, _):
        stj = st_ref[pl.ds(j * CMB_BLK, CMB_BLK), :]
        bits_j, s_j = _bits_of(stj[:, D:D + 1])
        ub_j = jnp.concatenate([bits_j, -s_j], axis=1).astype(jnp.bfloat16)
        m = lax.dot_general(ua_i, ub_j, (((1,), (1,)), ((), ())),
                            preferred_element_type=jnp.float32)
        mask = jnp.maximum(m - s_i + 1.0, 0.0).astype(jnp.bfloat16)
        dj = stj[:, D + 1:D + 2] * (
            stj[:, :D] - rdp_ref[pl.ds(j * CMB_BLK, CMB_BLK), :])
        hi = dj.astype(jnp.bfloat16)
        lo = (dj - hi.astype(jnp.float32)).astype(jnp.bfloat16)
        d2 = jnp.concatenate([hi, lo], axis=1)
        acc_ref[...] += jnp.dot(mask, d2, preferred_element_type=jnp.float32)
        return 0

    lax.fori_loop(jlo_ref[i], jhi_ref[i] + 1, jbody, 0)
    acc = acc_ref[...]
    out_ref[...] = (rdp_ref[pl.ds(i * CMB_BLK, CMB_BLK), :]
                    + acc[:, :D] + acc[:, D:])


def _combine(jlo, jhi, st, rdp):
    grid_spec = pltpu.PrefetchScalarGridSpec(
        num_scalar_prefetch=2,
        grid=(N_CMB,),
        in_specs=[
            pl.BlockSpec((N_TOK, ST_W), lambda i, jlo_r, jhi_r: (0, 0)),
            pl.BlockSpec((N_TOK, D), lambda i, jlo_r, jhi_r: (0, 0)),
        ],
        out_specs=pl.BlockSpec((CMB_BLK, D), lambda i, jlo_r, jhi_r: (i, 0)),
        scratch_shapes=[pltpu.VMEM((CMB_BLK, 2 * D), jnp.float32)],
    )
    return pl.pallas_call(
        _combine_body,
        grid_spec=grid_spec,
        out_shape=jax.ShapeDtypeStruct((N_TOK, D), jnp.float32),
    )(jlo, jhi, st, rdp)


def kernel(x, Wk, bk, Wv, bv, Wc, bc, W1, b1, W2, b2, P, V_mem):
    WkT = Wk.T
    WvT = Wv.T
    WcT = Wc.T
    W1T = W1.T
    W2r = W2.reshape(1, -1)
    bk2 = bk.reshape(1, -1)
    bv2 = bv.reshape(1, -1)
    bc2 = bc.reshape(1, -1)
    b12 = b1.reshape(1, -1)
    b22 = b2.reshape(1, 1)

    vals, g, idx, cnt3 = _dense_proj(x, WkT, bk2, WvT, bv2, WcT, bc2,
                                     W1T, b12, W2r, b22, P)
    idx_mat = idx.reshape(SC_WORKERS * N_CHUNKS, GATHER_CHUNK)

    cnt = cnt3.reshape(N_CMB, N_BUCKETS)
    base, jlo, jhi = _p2(cnt)
    st_src, pos = _p3(idx, g, vals, base)
    pos_mat = pos.reshape(SC_WORKERS * N_CHUNKS, GATHER_CHUNK)
    st, rdp = _sc_stage(V_mem, idx_mat, st_src, pos_mat)

    out_perm = _combine(jlo.reshape(N_CMB), jhi.reshape(N_CMB), st, rdp)
    return _sc_gather(out_perm, pos_mat)

# --- scband reference (transcript-rebuilt; emitter-appended) ---
"""Pipeline reference for scband-dnhlevel-67662914781202 (READ-ONLY COPY).

The authoritative reference and input builder live on the scoring server;
editing this copy changes nothing except your own understanding.
"""

import jax, jax.numpy as jnp
import numpy as np

N_SLOTS = 131072
N_BITS = 17


def setup_inputs(seed: int = 0) -> dict:
    key = jax.random.key(seed)
    ks = jax.random.split(key, 16)
    N, D = 16384, 128      # tokens, val_dim
    KD, CD, H = 64, 64, 64 # key_dim, context_dim, hidden_dim
    inp = {
        "x": jax.random.normal(ks[0], (N, D), dtype=jnp.float32),
        # projection params (nn.Linear: y = x @ W.T + b)
        "Wk": jax.random.normal(ks[1], (KD, D), dtype=jnp.float32) * 0.05,
        "bk": jnp.zeros((KD,), dtype=jnp.float32),
        "Wv": jax.random.normal(ks[2], (D, D), dtype=jnp.float32) * 0.05,
        "bv": jnp.zeros((D,), dtype=jnp.float32),
        "Wc": jax.random.normal(ks[3], (CD, D), dtype=jnp.float32) * 0.05,
        "bc": jnp.zeros((CD,), dtype=jnp.float32),
        # SelfModifyingMemory gate MLP: context -> hidden -> scalar gate
        "W1": jax.random.normal(ks[4], (H, CD), dtype=jnp.float32) * 0.05,
        "b1": jnp.zeros((H,), dtype=jnp.float32),
        "W2": jax.random.normal(ks[5], (1, H), dtype=jnp.float32) * 0.05,
        "b2": jnp.zeros((1,), dtype=jnp.float32),
        # fixed random projection for hash-based slot addressing
        "P": jax.random.normal(ks[6], (KD, N_BITS), dtype=jnp.float32),
        # memory table (slot values)
        "V_mem": jax.random.normal(ks[7], (N_SLOTS, D), dtype=jnp.float32) * 0.02,
    }
    return inp


def reference(x, Wk, bk, Wv, bv, Wc, bc, W1, b1, W2, b2, P, V_mem):
    # DNHLevel.forward: project x to keys / vals / context, then run SelfModifyingMemory
    keys = x @ Wk.T + bk          # [N, key_dim]
    vals = x @ Wv.T + bv          # [N, val_dim]
    ctx = x @ Wc.T + bc           # [N, context_dim]
    # gate (per-token self-modification rate) from context
    h = jax.nn.relu(ctx @ W1.T + b1)
    g = jax.nn.sigmoid(h @ W2.T + b2)  # [N, 1]
    # hash keys to memory slots (sign-bit LSH -> int index in [0, N_SLOTS))
    bits = (keys @ P) > 0.0                                    # [N, N_BITS]
    powers = (2 ** jnp.arange(N_BITS, dtype=jnp.int32))
    idx = jnp.sum(bits.astype(jnp.int32) * powers, axis=-1)    # [N]
    # read current slot contents (gather)
    read = jnp.take(V_mem, idx, axis=0)                        # [N, val_dim]
    # self-modifying delta-rule write (scatter-add)
    delta = g * (vals - read)
    V_new = V_mem.at[idx].add(delta)
    # read back from the updated memory (gather)
    out = jnp.take(V_new, idx, axis=0)                         # [N, val_dim]
    return out

if __name__ == "__main__":
    import jax
    _d = setup_inputs()
    print(jax.jit(kernel)(*tuple(_d.values())))

</pallas_src>

<mosaic_0001>
#map = affine_map<(d0, d1) -> (0, 0)>
module attributes {stable_mosaic.version = 14 : i64} {
  func.func @_sc_stage_kernel(%arg0: i32, %arg1: i32, %arg2: memref<131072x128xf32, #tpu.memory_space<hbm>>, %arg3: memref<128x128xi32, #tpu.memory_space<hbm>>, %arg4: memref<16384x256xf32, #tpu.memory_space<hbm>>, %arg5: memref<128x128xi32, #tpu.memory_space<hbm>>, %arg6: memref<16384x256xf32, #tpu.memory_space<hbm>>, %arg7: memref<16384x128xf32, #tpu.memory_space<hbm>>, %arg8: memref<4x128xi32, #tpu.memory_space<vmem>>, %arg9: memref<4x128xi32, #tpu.memory_space<vmem>>, %arg10: memref<256x128xf32, #tpu.memory_space<vmem>>, %arg11: memref<256x256xf32, #tpu.memory_space<vmem>>, %arg12: memref<!tpu.dma_semaphore, #tpu.memory_space<semaphore_mem>>, %arg13: memref<!tpu.dma_semaphore, #tpu.memory_space<semaphore_mem>>) attributes {dimension_semantics = [#tpu.dimension_semantics<core_parallel>, #tpu.dimension_semantics<subcore_parallel>], iteration_bounds = array<i64: 2, 16>, scalar_prefetch = 0 : i64, scratch_operands = 6 : i64, tpu.core_type = #tpu.core_type<sc_vector_subcore>, window_params = [{transform_indices = #map}, {transform_indices = #map}, {transform_indices = #map}, {transform_indices = #map}, {transform_indices = #map}, {transform_indices = #map}]} {
    %mul3A = arith.constant 2 : i32
    %mul3A_0 = arith.muli %arg1, %mul3A : i32
    %add3A = arith.addi %mul3A_0, %arg0 : i32
    %mul3A_1 = arith.constant 512 : i32
    %mul3A_2 = arith.muli %add3A, %mul3A_1 : i32
    %mul3A_3 = arith.constant 4 : i32
    %mul3A_4 = arith.muli %add3A, %mul3A_3 : i32
    "tpu.region"() ({
      %run_scoped3A = tpu.sem_alloc : memref<!tpu.dma_semaphore, #tpu.memory_space<semaphore_mem>>
      %dma_start3A_265 = arith.constant 0 : i32
      %dma_start3A_266 = tpu.memref_slice %arg3[%mul3A_4, %dma_start3A_265] : memref<128x128xi32, #tpu.memory_space<hbm>> -> memref<4x128xi32, #tpu.memory_space<hbm>>
      %dma_start3A_267 = arith.constant 0 : i32
      %dma_start3A_268 = tpu.memref_slice %arg3[%mul3A_4, %dma_start3A_267] : memref<128x128xi32, #tpu.memory_space<hbm>> -> memref<4x128xi32, #tpu.memory_space<hbm>>
      tpu.enqueue_dma source(%dma_start3A_268 : memref<4x128xi32, #tpu.memory_space<hbm>>) target(%arg8 : memref<4x128xi32, #tpu.memory_space<vmem>>) target_semaphore(%run_scoped3A : memref<!tpu.dma_semaphore, #tpu.memory_space<semaphore_mem>>)
      %dma_wait3A_269 = arith.constant 0 : i32
      %dma_wait3A_270 = tpu.memref_slice %arg3[%mul3A_4, %dma_wait3A_269] : memref<128x128xi32, #tpu.memory_space<hbm>> -> memref<4x128xi32, #tpu.memory_space<hbm>>
      %dma_wait3A_271 = arith.constant 0 : i32
      %dma_wait3A_272 = tpu.memref_slice %arg3[%mul3A_4, %dma_wait3A_271] : memref<128x128xi32, #tpu.memory_space<hbm>> -> memref<4x128xi32, #tpu.memory_space<hbm>>
      tpu.wait_dma2 semaphore(%run_scoped3A : memref<!tpu.dma_semaphore, #tpu.memory_space<semaphore_mem>>) src(%dma_wait3A_272 : memref<4x128xi32, #tpu.memory_space<hbm>>) dst(%arg8 : memref<4x128xi32, #tpu.memory_space<vmem>>)
      tpu.yield
    }) : () -> ()
    %mul3A_5 = arith.constant 4 : i32
    %mul3A_6 = arith.muli %add3A, %mul3A_5 : i32
    "tpu.region"() ({
      %run_scoped3A = tpu.sem_alloc : memref<!tpu.dma_semaphore, #tpu.memory_space<semaphore_mem>>
      %dma_start3A_265 = arith.constant 0 : i32
      %dma_start3A_266 = tpu.memref_slice %arg5[%mul3A_6, %dma_start3A_265] : memref<128x128xi32, #tpu.memory_space<hbm>> -> memref<4x128xi32, #tpu.memory_space<hbm>>
      %dma_start3A_267 = arith.constant 0 : i32
      %dma_start3A_268 = tpu.memref_slice %arg5[%mul3A_6, %dma_start3A_267] : memref<128x128xi32, #tpu.memory_space<hbm>> -> memref<4x128xi32, #tpu.memory_space<hbm>>
      tpu.enqueue_dma source(%dma_start3A_268 : memref<4x128xi32, #tpu.memory_space<hbm>>) target(%arg9 : memref<4x128xi32, #tpu.memory_space<vmem>>) target_semaphore(%run_scoped3A : memref<!tpu.dma_semaphore, #tpu.memory_space<semaphore_mem>>)
      %dma_wait3A_269 = arith.constant 0 : i32
      %dma_wait3A_270 = tpu.memref_slice %arg5[%mul3A_6, %dma_wait3A_269] : memref<128x128xi32, #tpu.memory_space<hbm>> -> memref<4x128xi32, #tpu.memory_space<hbm>>
      %dma_wait3A_271 = arith.constant 0 : i32
      %dma_wait3A_272 = tpu.memref_slice %arg5[%mul3A_6, %dma_wait3A_271] : memref<128x128xi32, #tpu.memory_space<hbm>> -> memref<4x128xi32, #tpu.memory_space<hbm>>
      tpu.wait_dma2 semaphore(%run_scoped3A : memref<!tpu.dma_semaphore, #tpu.memory_space<semaphore_mem>>) src(%dma_wait3A_272 : memref<4x128xi32, #tpu.memory_space<hbm>>) dst(%arg9 : memref<4x128xi32, #tpu.memory_space<vmem>>)
      tpu.yield
    }) : () -> ()
    %dma_start3A = arith.constant 0 : i32
    %dma_start3A_7 = arith.constant 0 : i32
    %dma_start3A_8 = arith.constant 0 : i32
    %dma_start3A_9 = tpu.memref_slice %arg10[%dma_start3A_7, %dma_start3A_8] : memref<256x128xf32, #tpu.memory_space<vmem>> -> memref<128x128xf32, #tpu.memory_space<vmem>>
    %dma_start3A_10 = arith.constant 0 : i32
    %dma_start3A_11 = tpu.memref_slice %arg8[%dma_start3A, %dma_start3A_10] : memref<4x128xi32, #tpu.memory_space<vmem>> -> memref<1x128xi32, #tpu.memory_space<vmem>>
    %dma_start3A_12 = tpu.memref_squeeze %dma_start3A_11 : memref<1x128xi32, #tpu.memory_space<vmem>> -> memref<128xi32, #tpu.memory_space<vmem>>
    %dma_start3A_13 = arith.constant 0 : i32
    %dma_start3A_14 = arith.constant 0 : i32
    %dma_start3A_15 = tpu.memref_slice %arg2[%dma_start3A_13, %dma_start3A_14] : memref<131072x128xf32, #tpu.memory_space<hbm>> -> memref<131072x128xf32, #tpu.memory_space<hbm>>
    tpu.enqueue_indirect_dma source(%dma_start3A_15 : memref<131072x128xf32, #tpu.memory_space<hbm>>) target(%dma_start3A_9 : memref<128x128xf32, #tpu.memory_space<vmem>>) offsets(%dma_start3A_12 : memref<128xi32, #tpu.memory_space<vmem>>) semaphore(%arg12 : memref<!tpu.dma_semaphore, #tpu.memory_space<semaphore_mem>>)
    %dma_start3A_16 = arith.constant 1 : i32
    %dma_start3A_17 = arith.constant 128 : i32
    %dma_start3A_18 = arith.constant 0 : i32
    %dma_start3A_19 = tpu.memref_slice %arg10[%dma_start3A_17, %dma_start3A_18] : memref<256x128xf32, #tpu.memory_space<vmem>> -> memref<128x128xf32, #tpu.memory_space<vmem>>
    %dma_start3A_20 = arith.constant 0 : i32
    %dma_start3A_21 = tpu.memref_slice %arg8[%dma_start3A_16, %dma_start3A_20] : memref<4x128xi32, #tpu.memory_space<vmem>> -> memref<1x128xi32, #tpu.memory_space<vmem>>
    %dma_start3A_22 = tpu.memref_squeeze %dma_start3A_21 : memref<1x128xi32, #tpu.memory_space<vmem>> -> memref<128xi32, #tpu.memory_space<vmem>>
    %dma_start3A_23 = arith.constant 0 : i32
    %dma_start3A_24 = arith.constant 0 : i32
    %dma_start3A_25 = tpu.memref_slice %arg2[%dma_start3A_23, %dma_start3A_24] : memref<131072x128xf32, #tpu.memory_space<hbm>> -> memref<131072x128xf32, #tpu.memory_space<hbm>>
    tpu.enqueue_indirect_dma source(%dma_start3A_25 : memref<131072x128xf32, #tpu.memory_space<hbm>>) target(%dma_start3A_19 : memref<128x128xf32, #tpu.memory_space<vmem>>) offsets(%dma_start3A_22 : memref<128xi32, #tpu.memory_space<vmem>>) semaphore(%arg12 : memref<!tpu.dma_semaphore, #tpu.memory_space<semaphore_mem>>)
    %add3A_26 = arith.constant 0 : i32
    %add3A_27 = arith.addi %mul3A_2, %add3A_26 : i32
    %dma_start3A_28 = arith.constant 0 : i32
    %dma_start3A_29 = tpu.memref_slice %arg4[%add3A_27, %dma_start3A_28] : memref<16384x256xf32, #tpu.memory_space<hbm>> -> memref<256x256xf32, #tpu.memory_space<hbm>>
    %dma_start3A_30 = arith.constant 0 : i32
    %dma_start3A_31 = tpu.memref_slice %arg4[%add3A_27, %dma_start3A_30] : memref<16384x256xf32, #tpu.memory_space<hbm>> -> memref<256x256xf32, #tpu.memory_space<hbm>>
    tpu.enqueue_dma source(%dma_start3A_31 : memref<256x256xf32, #tpu.memory_space<hbm>>) target(%arg11 : memref<256x256xf32, #tpu.memory_space<vmem>>) target_semaphore(%arg13 : memref<!tpu.dma_semaphore, #tpu.memory_space<semaphore_mem>>)
    %dma_wait3A = arith.constant 0 : i32
    %dma_wait3A_32 = arith.constant 0 : i32
    %dma_wait3A_33 = arith.constant 0 : i32
    %dma_wait3A_34 = tpu.memref_slice %arg10[%dma_wait3A_32, %dma_wait3A_33] : memref<256x128xf32, #tpu.memory_space<vmem>> -> memref<128x128xf32, #tpu.memory_space<vmem>>
    %dma_wait3A_35 = arith.constant 0 : i32
    %dma_wait3A_36 = tpu.memref_slice %arg8[%dma_wait3A, %dma_wait3A_35] : memref<4x128xi32, #tpu.memory_space<vmem>> -> memref<1x128xi32, #tpu.memory_space<vmem>>
    %dma_wait3A_37 = tpu.memref_squeeze %dma_wait3A_36 : memref<1x128xi32, #tpu.memory_space<vmem>> -> memref<128xi32, #tpu.memory_space<vmem>>
    %dma_wait3A_38 = arith.constant 0 : i32
    %dma_wait3A_39 = arith.constant 0 : i32
    %dma_wait3A_40 = tpu.memref_slice %arg2[%dma_wait3A_38, %dma_wait3A_39] : memref<131072x128xf32, #tpu.memory_space<hbm>> -> memref<131072x128xf32, #tpu.memory_space<hbm>>
    tpu.wait_indirect_dma semaphore(%arg12 : memref<!tpu.dma_semaphore, #tpu.memory_space<semaphore_mem>>) src(%dma_wait3A_40 : memref<131072x128xf32, #tpu.memory_space<hbm>>) dst(%dma_wait3A_34 : memref<128x128xf32, #tpu.memory_space<vmem>>)
    %dma_wait3A_41 = arith.constant 1 : i32
    %dma_wait3A_42 = arith.constant 128 : i32
    %dma_wait3A_43 = arith.constant 0 : i32
    %dma_wait3A_44 = tpu.memref_slice %arg10[%dma_wait3A_42, %dma_wait3A_43] : memref<256x128xf32, #tpu.memory_space<vmem>> -> memref<128x128xf32, #tpu.memory_space<vmem>>
    %dma_wait3A_45 = arith.constant 0 : i32
    %dma_wait3A_46 = tpu.memref_slice %arg8[%dma_wait3A_41, %dma_wait3A_45] : memref<4x128xi32, #tpu.memory_space<vmem>> -> memref<1x128xi32, #tpu.memory_space<vmem>>
    %dma_wait3A_47 = tpu.memref_squeeze %dma_wait3A_46 : memref<1x128xi32, #tpu.memory_space<vmem>> -> memref<128xi32, #tpu.memory_space<vmem>>
    %dma_wait3A_48 = arith.constant 0 : i32
    %dma_wait3A_49 = arith.constant 0 : i32
    %dma_wait3A_50 = tpu.memref_slice %arg2[%dma_wait3A_48, %dma_wait3A_49] : memref<131072x128xf32, #tpu.memory_space<hbm>> -> memref<131072x128xf32, #tpu.memory_space<hbm>>
    tpu.wait_indirect_dma semaphore(%arg12 : memref<!tpu.dma_semaphore, #tpu.memory_space<semaphore_mem>>) src(%dma_wait3A_50 : memref<131072x128xf32, #tpu.memory_space<hbm>>) dst(%dma_wait3A_44 : memref<128x128xf32, #tpu.memory_space<vmem>>)
    %dma_start3A_51 = arith.constant 0 : i32
    %dma_start3A_52 = arith.constant 0 : i32
    %dma_start3A_53 = arith.constant 0 : i32
    %dma_start3A_54 = tpu.memref_slice %arg10[%dma_start3A_52, %dma_start3A_53] : memref<256x128xf32, #tpu.memory_space<vmem>> -> memref<128x128xf32, #tpu.memory_space<vmem>>
    %dma_start3A_55 = arith.constant 0 : i32
    %dma_start3A_56 = tpu.memref_slice %arg9[%dma_start3A_51, %dma_start3A_55] : memref<4x128xi32, #tpu.memory_space<vmem>> -> memref<1x128xi32, #tpu.memory_space<vmem>>
    %dma_start3A_57 = tpu.memref_squeeze %dma_start3A_56 : memref<1x128xi32, #tpu.memory_space<vmem>> -> memref<128xi32, #tpu.memory_space<vmem>>
    %dma_start3A_58 = arith.constant 0 : i32
    %dma_start3A_59 = arith.constant 0 : i32
    %dma_start3A_60 = tpu.memref_slice %arg7[%dma_start3A_58, %dma_start3A_59] : memref<16384x128xf32, #tpu.memory_space<hbm>> -> memref<16384x128xf32, #tpu.memory_space<hbm>>
    tpu.enqueue_indirect_dma source(%dma_start3A_54 : memref<128x128xf32, #tpu.memory_space<vmem>>) target(%dma_start3A_60 : memref<16384x128xf32, #tpu.memory_space<hbm>>) offsets(%dma_start3A_57 : memref<128xi32, #tpu.memory_space<vmem>>) semaphore(%arg12 : memref<!tpu.dma_semaphore, #tpu.memory_space<semaphore_mem>>)
    %dma_start3A_61 = arith.constant 1 : i32
    %dma_start3A_62 = arith.constant 128 : i32
    %dma_start3A_63 = arith.constant 0 : i32
    %dma_start3A_64 = tpu.memref_slice %arg10[%dma_start3A_62, %dma_start3A_63] : memref<256x128xf32, #tpu.memory_space<vmem>> -> memref<128x128xf32, #tpu.memory_space<vmem>>
    %dma_start3A_65 = arith.constant 0 : i32
    %dma_start3A_66 = tpu.memref_slice %arg9[%dma_start3A_61, %dma_start3A_65] : memref<4x128xi32, #tpu.memory_space<vmem>> -> memref<1x128xi32, #tpu.memory_space<vmem>>
    %dma_start3A_67 = tpu.memref_squeeze %dma_start3A_66 : memref<1x128xi32, #tpu.memory_space<vmem>> -> memref<128xi32, #tpu.memory_space<vmem>>
    %dma_start3A_68 = arith.constant 0 : i32
    %dma_start3A_69 = arith.constant 0 : i32
    %dma_start3A_70 = tpu.memref_slice %arg7[%dma_start3A_68, %dma_start3A_69] : memref<16384x128xf32, #tpu.memory_space<hbm>> -> memref<16384x128xf32, #tpu.memory_space<hbm>>
    tpu.enqueue_indirect_dma source(%dma_start3A_64 : memref<128x128xf32, #tpu.memory_space<vmem>>) target(%dma_start3A_70 : memref<16384x128xf32, #tpu.memory_space<hbm>>) offsets(%dma_start3A_67 : memref<128xi32, #tpu.memory_space<vmem>>) semaphore(%arg12 : memref<!tpu.dma_semaphore, #tpu.memory_space<semaphore_mem>>)
    %dma_wait3A_71 = arith.constant 0 : i32
    %dma_wait3A_72 = tpu.memref_slice %arg4[%add3A_27, %dma_wait3A_71] : memref<16384x256xf32, #tpu.memory_space<hbm>> -> memref<256x256xf32, #tpu.memory_space<hbm>>
    %dma_wait3A_73 = arith.constant 0 : i32
    %dma_wait3A_74 = tpu.memref_slice %arg4[%add3A_27, %dma_wait3A_73] : memref<16384x256xf32, #tpu.memory_space<hbm>> -> memref<256x256xf32, #tpu.memory_space<hbm>>
    tpu.wait_dma2 semaphore(%arg13 : memref<!tpu.dma_semaphore, #tpu.memory_space<semaphore_mem>>) src(%dma_wait3A_74 : memref<256x256xf32, #tpu.memory_space<hbm>>) dst(%arg11 : memref<256x256xf32, #tpu.memory_space<vmem>>)
    %dma_start3A_75 = arith.constant 0 : i32
    %dma_start3A_76 = arith.constant 0 : i32
    %dma_start3A_77 = arith.constant 0 : i32
    %dma_start3A_78 = tpu.memref_slice %arg11[%dma_start3A_76, %dma_start3A_77] : memref<256x256xf32, #tpu.memory_space<vmem>> -> memref<128x256xf32, #tpu.memory_space<vmem>>
    %dma_start3A_79 = arith.constant 0 : i32
    %dma_start3A_80 = tpu.memref_slice %arg9[%dma_start3A_75, %dma_start3A_79] : memref<4x128xi32, #tpu.memory_space<vmem>> -> memref<1x128xi32, #tpu.memory_space<vmem>>
    %dma_start3A_81 = tpu.memref_squeeze %dma_start3A_80 : memref<1x128xi32, #tpu.memory_space<vmem>> -> memref<128xi32, #tpu.memory_space<vmem>>
    %dma_start3A_82 = arith.constant 0 : i32
    %dma_start3A_83 = arith.constant 0 : i32
    %dma_start3A_84 = tpu.memref_slice %arg6[%dma_start3A_82, %dma_start3A_83] : memref<16384x256xf32, #tpu.memory_space<hbm>> -> memref<16384x256xf32, #tpu.memory_space<hbm>>
    tpu.enqueue_indirect_dma source(%dma_start3A_78 : memref<128x256xf32, #tpu.memory_space<vmem>>) target(%dma_start3A_84 : memref<16384x256xf32, #tpu.memory_space<hbm>>) offsets(%dma_start3A_81 : memref<128xi32, #tpu.memory_space<vmem>>) semaphore(%arg13 : memref<!tpu.dma_semaphore, #tpu.memory_space<semaphore_mem>>)
    %dma_start3A_85 = arith.constant 1 : i32
    %dma_start3A_86 = arith.constant 128 : i32
    %dma_start3A_87 = arith.constant 0 : i32
    %dma_start3A_88 = tpu.memref_slice %arg11[%dma_start3A_86, %dma_start3A_87] : memref<256x256xf32, #tpu.memory_space<vmem>> -> memref<128x256xf32, #tpu.memory_space<vmem>>
    %dma_start3A_89 = arith.constant 0 : i32
    %dma_start3A_90 = tpu.memref_slice %arg9[%dma_start3A_85, %dma_start3A_89] : memref<4x128xi32, #tpu.memory_space<vmem>> -> memref<1x128xi32, #tpu.memory_space<vmem>>
    %dma_start3A_91 = tpu.memref_squeeze %dma_start3A_90 : memref<1x128xi32, #tpu.memory_space<vmem>> -> memref<128xi32, #tpu.memory_space<vmem>>
    %dma_start3A_92 = arith.constant 0 : i32
    %dma_start3A_93 = arith.constant 0 : i32
    %dma_start3A_94 = tpu.memref_slice %arg6[%dma_start3A_92, %dma_start3A_93] : memref<16384x256xf32, #tpu.memory_space<hbm>> -> memref<16384x256xf32, #tpu.memory_space<hbm>>
    tpu.enqueue_indirect_dma source(%dma_start3A_88 : memref<128x256xf32, #tpu.memory_space<vmem>>) target(%dma_start3A_94 : memref<16384x256xf32, #tpu.memory_space<hbm>>) offsets(%dma_start3A_91 : memref<128xi32, #tpu.memory_space<vmem>>) semaphore(%arg13 : memref<!tpu.dma_semaphore, #tpu.memory_space<semaphore_mem>>)
    %dma_wait3A_95 = arith.constant 0 : i32
    %dma_wait3A_96 = arith.constant 0 : i32
    %dma_wait3A_97 = arith.constant 0 : i32
    %dma_wait3A_98 = tpu.memref_slice %arg10[%dma_wait3A_96, %dma_wait3A_97] : memref<256x128xf32, #tpu.memory_space<vmem>> -> memref<128x128xf32, #tpu.memory_space<vmem>>
    %dma_wait3A_99 = arith.constant 0 : i32
    %dma_wait3A_100 = tpu.memref_slice %arg9[%dma_wait3A_95, %dma_wait3A_99] : memref<4x128xi32, #tpu.memory_space<vmem>> -> memref<1x128xi32, #tpu.memory_space<vmem>>
    %dma_wait3A_101 = tpu.memref_squeeze %dma_wait3A_100 : memref<1x128xi32, #tpu.memory_space<vmem>> -> memref<128xi32, #tpu.memory_space<vmem>>
    %dma_wait3A_102 = arith.constant 0 : i32
    %dma_wait3A_103 = arith.constant 0 : i32
    %dma_wait3A_104 = tpu.memref_slice %arg7[%dma_wait3A_102, %dma_wait3A_103] : memref<16384x128xf32, #tpu.memory_space<hbm>> -> memref<16384x128xf32, #tpu.memory_space<hbm>>
    tpu.wait_indirect_dma semaphore(%arg12 : memref<!tpu.dma_semaphore, #tpu.memory_space<semaphore_mem>>) src(%dma_wait3A_98 : memref<128x128xf32, #tpu.memory_space<vmem>>) dst(%dma_wait3A_104 : memref<16384x128xf32, #tpu.memory_space<hbm>>)
    %dma_wait3A_105 = arith.constant 0 : i32
    %dma_wait3A_106 = arith.constant 0 : i32
    %dma_wait3A_107 = arith.constant 0 : i32
    %dma_wait3A_108 = tpu.memref_slice %arg11[%dma_wait3A_106, %dma_wait3A_107] : memref<256x256xf32, #tpu.memory_space<vmem>> -> memref<128x256xf32, #tpu.memory_space<vmem>>
    %dma_wait3A_109 = arith.constant 0 : i32
    %dma_wait3A_110 = tpu.memref_slice %arg9[%dma_wait3A_105, %dma_wait3A_109] : memref<4x128xi32, #tpu.memory_space<vmem>> -> memref<1x128xi32, #tpu.memory_space<vmem>>
    %dma_wait3A_111 = tpu.memref_squeeze %dma_wait3A_110 : memref<1x128xi32, #tpu.memory_space<vmem>> -> memref<128xi32, #tpu.memory_space<vmem>>
    %dma_wait3A_112 = arith.constant 0 : i32
    %dma_wait3A_113 = arith.constant 0 : i32
    %dma_wait3A_114 = tpu.memref_slice %arg6[%dma_wait3A_112, %dma_wait3A_113] : memref<16384x256xf32, #tpu.memory_space<hbm>> -> memref<16384x256xf32, #tpu.memory_space<hbm>>
    tpu.wait_indirect_dma semaphore(%arg13 : memref<!tpu.dma_semaphore, #tpu.memory_space<semaphore_mem>>) src(%dma_wait3A_108 : memref<128x256xf32, #tpu.memory_space<vmem>>) dst(%dma_wait3A_114 : memref<16384x256xf32, #tpu.memory_space<hbm>>)
    %dma_wait3A_115 = arith.constant 1 : i32
    %dma_wait3A_116 = arith.constant 128 : i32
    %dma_wait3A_117 = arith.constant 0 : i32
    %dma_wait3A_118 = tpu.memref_slice %arg10[%dma_wait3A_116, %dma_wait3A_117] : memref<256x128xf32, #tpu.memory_space<vmem>> -> memref<128x128xf32, #tpu.memory_space<vmem>>
    %dma_wait3A_119 = arith.constant 0 : i32
    %dma_wait3A_120 = tpu.memref_slice %arg9[%dma_wait3A_115, %dma_wait3A_119] : memref<4x128xi32, #tpu.memory_space<vmem>> -> memref<1x128xi32, #tpu.memory_space<vmem>>
    %dma_wait3A_121 = tpu.memref_squeeze %dma_wait3A_120 : memref<1x128xi32, #tpu.memory_space<vmem>> -> memref<128xi32, #tpu.memory_space<vmem>>
    %dma_wait3A_122 = arith.constant 0 : i32
    %dma_wait3A_123 = arith.constant 0 : i32
    %dma_wait3A_124 = tpu.memref_slice %arg7[%dma_wait3A_122, %dma_wait3A_123] : memref<16384x128xf32, #tpu.memory_space<hbm>> -> memref<16384x128xf32, #tpu.memory_space<hbm>>
    tpu.wait_indirect_dma semaphore(%arg12 : memref<!tpu.dma_semaphore, #tpu.memory_space<semaphore_mem>>) src(%dma_wait3A_118 : memref<128x128xf32, #tpu.memory_space<vmem>>) dst(%dma_wait3A_124 : memref<16384x128xf32, #tpu.memory_space<hbm>>)
    %dma_wait3A_125 = arith.constant 1 : i32
    %dma_wait3A_126 = arith.constant 128 : i32
    %dma_wait3A_127 = arith.constant 0 : i32
    %dma_wait3A_128 = tpu.memref_slice %arg11[%dma_wait3A_126, %dma_wait3A_127] : memref<256x256xf32, #tpu.memory_space<vmem>> -> memref<128x256xf32, #tpu.memory_space<vmem>>
    %dma_wait3A_129 = arith.constant 0 : i32
    %dma_wait3A_130 = tpu.memref_slice %arg9[%dma_wait3A_125, %dma_wait3A_129] : memref<4x128xi32, #tpu.memory_space<vmem>> -> memref<1x128xi32, #tpu.memory_space<vmem>>
    %dma_wait3A_131 = tpu.memref_squeeze %dma_wait3A_130 : memref<1x128xi32, #tpu.memory_space<vmem>> -> memref<128xi32, #tpu.memory_space<vmem>>
    %dma_wait3A_132 = arith.constant 0 : i32
    %dma_wait3A_133 = arith.constant 0 : i32
    %dma_wait3A_134 = tpu.memref_slice %arg6[%dma_wait3A_132, %dma_wait3A_133] : memref<16384x256xf32, #tpu.memory_space<hbm>> -> memref<16384x256xf32, #tpu.memory_space<hbm>>
    tpu.wait_indirect_dma semaphore(%arg13 : memref<!tpu.dma_semaphore, #tpu.memory_space<semaphore_mem>>) src(%dma_wait3A_128 : memref<128x256xf32, #tpu.memory_space<vmem>>) dst(%dma_wait3A_134 : memref<16384x256xf32, #tpu.memory_space<hbm>>)
    %dma_start3A_135 = arith.constant 2 : i32
    %dma_start3A_136 = arith.constant 0 : i32
    %dma_start3A_137 = arith.constant 0 : i32
    %dma_start3A_138 = tpu.memref_slice %arg10[%dma_start3A_136, %dma_start3A_137] : memref<256x128xf32, #tpu.memory_space<vmem>> -> memref<128x128xf32, #tpu.memory_space<vmem>>
    %dma_start3A_139 = arith.constant 0 : i32
    %dma_start3A_140 = tpu.memref_slice %arg8[%dma_start3A_135, %dma_start3A_139] : memref<4x128xi32, #tpu.memory_space<vmem>> -> memref<1x128xi32, #tpu.memory_space<vmem>>
    %dma_start3A_141 = tpu.memref_squeeze %dma_start3A_140 : memref<1x128xi32, #tpu.memory_space<vmem>> -> memref<128xi32, #tpu.memory_space<vmem>>
    %dma_start3A_142 = arith.constant 0 : i32
    %dma_start3A_143 = arith.constant 0 : i32
    %dma_start3A_144 = tpu.memref_slice %arg2[%dma_start3A_142, %dma_start3A_143] : memref<131072x128xf32, #tpu.memory_space<hbm>> -> memref<131072x128xf32, #tpu.memory_space<hbm>>
    tpu.enqueue_indirect_dma source(%dma_start3A_144 : memref<131072x128xf32, #tpu.memory_space<hbm>>) target(%dma_start3A_138 : memref<128x128xf32, #tpu.memory_space<vmem>>) offsets(%dma_start3A_141 : memref<128xi32, #tpu.memory_space<vmem>>) semaphore(%arg12 : memref<!tpu.dma_semaphore, #tpu.memory_space<semaphore_mem>>)
    %dma_start3A_145 = arith.constant 3 : i32
    %dma_start3A_146 = arith.constant 128 : i32
    %dma_start3A_147 = arith.constant 0 : i32
    %dma_start3A_148 = tpu.memref_slice %arg10[%dma_start3A_146, %dma_start3A_147] : memref<256x128xf32, #tpu.memory_space<vmem>> -> memref<128x128xf32, #tpu.memory_space<vmem>>
    %dma_start3A_149 = arith.constant 0 : i32
    %dma_start3A_150 = tpu.memref_slice %arg8[%dma_start3A_145, %dma_start3A_149] : memref<4x128xi32, #tpu.memory_space<vmem>> -> memref<1x128xi32, #tpu.memory_space<vmem>>
    %dma_start3A_151 = tpu.memref_squeeze %dma_start3A_150 : memref<1x128xi32, #tpu.memory_space<vmem>> -> memref<128xi32, #tpu.memory_space<vmem>>
    %dma_start3A_152 = arith.constant 0 : i32
    %dma_start3A_153 = arith.constant 0 : i32
    %dma_start3A_154 = tpu.memref_slice %arg2[%dma_start3A_152, %dma_start3A_153] : memref<131072x128xf32, #tpu.memory_space<hbm>> -> memref<131072x128xf32, #tpu.memory_space<hbm>>
    tpu.enqueue_indirect_dma source(%dma_start3A_154 : memref<131072x128xf32, #tpu.memory_space<hbm>>) target(%dma_start3A_148 : memref<128x128xf32, #tpu.memory_space<vmem>>) offsets(%dma_start3A_151 : memref<128xi32, #tpu.memory_space<vmem>>) semaphore(%arg12 : memref<!tpu.dma_semaphore, #tpu.memory_space<semaphore_mem>>)
    %add3A_155 = arith.constant 256 : i32
    %add3A_156 = arith.addi %mul3A_2, %add3A_155 : i32
    %dma_start3A_157 = arith.constant 0 : i32
    %dma_start3A_158 = tpu.memref_slice %arg4[%add3A_156, %dma_start3A_157] : memref<16384x256xf32, #tpu.memory_space<hbm>> -> memref<256x256xf32, #tpu.memory_space<hbm>>
    %dma_start3A_159 = arith.constant 0 : i32
    %dma_start3A_160 = tpu.memref_slice %arg4[%add3A_156, %dma_start3A_159] : memref<16384x256xf32, #tpu.memory_space<hbm>> -> memref<256x256xf32, #tpu.memory_space<hbm>>
    tpu.enqueue_dma source(%dma_start3A_160 : memref<256x256xf32, #tpu.memory_space<hbm>>) target(%arg11 : memref<256x256xf32, #tpu.memory_space<vmem>>) target_semaphore(%arg13 : memref<!tpu.dma_semaphore, #tpu.memory_space<semaphore_mem>>)
    %dma_wait3A_161 = arith.constant 2 : i32
    %dma_wait3A_162 = arith.constant 0 : i32
    %dma_wait3A_163 = arith.constant 0 : i32
    %dma_wait3A_164 = tpu.memref_slice %arg10[%dma_wait3A_162, %dma_wait3A_163] : memref<256x128xf32, #tpu.memory_space<vmem>> -> memref<128x128xf32, #tpu.memory_space<vmem>>
    %dma_wait3A_165 = arith.constant 0 : i32
    %dma_wait3A_166 = tpu.memref_slice %arg8[%dma_wait3A_161, %dma_wait3A_165] : memref<4x128xi32, #tpu.memory_space<vmem>> -> memref<1x128xi32, #tpu.memory_space<vmem>>
    %dma_wait3A_167 = tpu.memref_squeeze %dma_wait3A_166 : memref<1x128xi32, #tpu.memory_space<vmem>> -> memref<128xi32, #tpu.memory_space<vmem>>
    %dma_wait3A_168 = arith.constant 0 : i32
    %dma_wait3A_169 = arith.constant 0 : i32
    %dma_wait3A_170 = tpu.memref_slice %arg2[%dma_wait3A_168, %dma_wait3A_169] : memref<131072x128xf32, #tpu.memory_space<hbm>> -> memref<131072x128xf32, #tpu.memory_space<hbm>>
    tpu.wait_indirect_dma semaphore(%arg12 : memref<!tpu.dma_semaphore, #tpu.memory_space<semaphore_mem>>) src(%dma_wait3A_170 : memref<131072x128xf32, #tpu.memory_space<hbm>>) dst(%dma_wait3A_164 : memref<128x128xf32, #tpu.memory_space<vmem>>)
    %dma_wait3A_171 = arith.constant 3 : i32
    %dma_wait3A_172 = arith.constant 128 : i32
    %dma_wait3A_173 = arith.constant 0 : i32
    %dma_wait3A_174 = tpu.memref_slice %arg10[%dma_wait3A_172, %dma_wait3A_173] : memref<256x128xf32, #tpu.memory_space<vmem>> -> memref<128x128xf32, #tpu.memory_space<vmem>>
    %dma_wait3A_175 = arith.constant 0 : i32
    %dma_wait3A_176 = tpu.memref_slice %arg8[%dma_wait3A_171, %dma_wait3A_175] : memref<4x128xi32, #tpu.memory_space<vmem>> -> memref<1x128xi32, #tpu.memory_space<vmem>>
    %dma_wait3A_177 = tpu.memref_squeeze %dma_wait3A_176 : memref<1x128xi32, #tpu.memory_space<vmem>> -> memref<128xi32, #tpu.memory_space<vmem>>
    %dma_wait3A_178 = arith.constant 0 : i32
    %dma_wait3A_179 = arith.constant 0 : i32
    %dma_wait3A_180 = tpu.memref_slice %arg2[%dma_wait3A_178, %dma_wait3A_179] : memref<131072x128xf32, #tpu.memory_space<hbm>> -> memref<131072x128xf32, #tpu.memory_space<hbm>>
    tpu.wait_indirect_dma semaphore(%arg12 : memref<!tpu.dma_semaphore, #tpu.memory_space<semaphore_mem>>) src(%dma_wait3A_180 : memref<131072x128xf32, #tpu.memory_space<hbm>>) dst(%dma_wait3A_174 : memref<128x128xf32, #tpu.memory_space<vmem>>)
    %dma_start3A_181 = arith.constant 2 : i32
    %dma_start3A_182 = arith.constant 0 : i32
    %dma_start3A_183 = arith.constant 0 : i32
    %dma_start3A_184 = tpu.memref_slice %arg10[%dma_start3A_182, %dma_start3A_183] : memref<256x128xf32, #tpu.memory_space<vmem>> -> memref<128x128xf32, #tpu.memory_space<vmem>>
    %dma_start3A_185 = arith.constant 0 : i32
    %dma_start3A_186 = tpu.memref_slice %arg9[%dma_start3A_181, %dma_start3A_185] : memref<4x128xi32, #tpu.memory_space<vmem>> -> memref<1x128xi32, #tpu.memory_space<vmem>>
    %dma_start3A_187 = tpu.memref_squeeze %dma_start3A_186 : memref<1x128xi32, #tpu.memory_space<vmem>> -> memref<128xi32, #tpu.memory_space<vmem>>
    %dma_start3A_188 = arith.constant 0 : i32
    %dma_start3A_189 = arith.constant 0 : i32
    %dma_start3A_190 = tpu.memref_slice %arg7[%dma_start3A_188, %dma_start3A_189] : memref<16384x128xf32, #tpu.memory_space<hbm>> -> memref<16384x128xf32, #tpu.memory_space<hbm>>
    tpu.enqueue_indirect_dma source(%dma_start3A_184 : memref<128x128xf32, #tpu.memory_space<vmem>>) target(%dma_start3A_190 : memref<16384x128xf32, #tpu.memory_space<hbm>>) offsets(%dma_start3A_187 : memref<128xi32, #tpu.memory_space<vmem>>) semaphore(%arg12 : memref<!tpu.dma_semaphore, #tpu.memory_space<semaphore_mem>>)
    %dma_start3A_191 = arith.constant 3 : i32
    %dma_start3A_192 = arith.constant 128 : i32
    %dma_start3A_193 = arith.constant 0 : i32
    %dma_start3A_194 = tpu.memref_slice %arg10[%dma_start3A_192, %dma_start3A_193] : memref<256x128xf32, #tpu.memory_space<vmem>> -> memref<128x128xf32, #tpu.memory_space<vmem>>
    %dma_start3A_195 = arith.constant 0 : i32
    %dma_start3A_196 = tpu.memref_slice %arg9[%dma_start3A_191, %dma_start3A_195] : memref<4x128xi32, #tpu.memory_space<vmem>> -> memref<1x128xi32, #tpu.memory_space<vmem>>
    %dma_start3A_197 = tpu.memref_squeeze %dma_start3A_196 : memref<1x128xi32, #tpu.memory_space<vmem>> -> memref<128xi32, #tpu.memory_space<vmem>>
    %dma_start3A_198 = arith.constant 0 : i32
    %dma_start3A_199 = arith.constant 0 : i32
    %dma_start3A_200 = tpu.memref_slice %arg7[%dma_start3A_198, %dma_start3A_199] : memref<16384x128xf32, #tpu.memory_space<hbm>> -> memref<16384x128xf32, #tpu.memory_space<hbm>>
    tpu.enqueue_indirect_dma source(%dma_start3A_194 : memref<128x128xf32, #tpu.memory_space<vmem>>) target(%dma_start3A_200 : memref<16384x128xf32, #tpu.memory_space<hbm>>) offsets(%dma_start3A_197 : memref<128xi32, #tpu.memory_space<vmem>>) semaphore(%arg12 : memref<!tpu.dma_semaphore, #tpu.memory_space<semaphore_mem>>)
    %dma_wait3A_201 = arith.constant 0 : i32
    %dma_wait3A_202 = tpu.memref_slice %arg4[%add3A_156, %dma_wait3A_201] : memref<16384x256xf32, #tpu.memory_space<hbm>> -> memref<256x256xf32, #tpu.memory_space<hbm>>
    %dma_wait3A_203 = arith.constant 0 : i32
    %dma_wait3A_204 = tpu.memref_slice %arg4[%add3A_156, %dma_wait3A_203] : memref<16384x256xf32, #tpu.memory_space<hbm>> -> memref<256x256xf32, #tpu.memory_space<hbm>>
    tpu.wait_dma2 semaphore(%arg13 : memref<!tpu.dma_semaphore, #tpu.memory_space<semaphore_mem>>) src(%dma_wait3A_204 : memref<256x256xf32, #tpu.memory_space<hbm>>) dst(%arg11 : memref<256x256xf32, #tpu.memory_space<vmem>>)
    %dma_start3A_205 = arith.constant 2 : i32
    %dma_start3A_206 = arith.constant 0 : i32
    %dma_start3A_207 = arith.constant 0 : i32
    %dma_start3A_208 = tpu.memref_slice %arg11[%dma_start3A_206, %dma_start3A_207] : memref<256x256xf32, #tpu.memory_space<vmem>> -> memref<128x256xf32, #tpu.memory_space<vmem>>
    %dma_start3A_209 = arith.constant 0 : i32
    %dma_start3A_210 = tpu.memref_slice %arg9[%dma_start3A_205, %dma_start3A_209] : memref<4x128xi32, #tpu.memory_space<vmem>> -> memref<1x128xi32, #tpu.memory_space<vmem>>
    %dma_start3A_211 = tpu.memref_squeeze %dma_start3A_210 : memref<1x128xi32, #tpu.memory_space<vmem>> -> memref<128xi32, #tpu.memory_space<vmem>>
    %dma_start3A_212 = arith.constant 0 : i32
    %dma_start3A_213 = arith.constant 0 : i32
    %dma_start3A_214 = tpu.memref_slice %arg6[%dma_start3A_212, %dma_start3A_213] : memref<16384x256xf32, #tpu.memory_space<hbm>> -> memref<16384x256xf32, #tpu.memory_space<hbm>>
    tpu.enqueue_indirect_dma source(%dma_start3A_208 : memref<128x256xf32, #tpu.memory_space<vmem>>) target(%dma_start3A_214 : memref<16384x256xf32, #tpu.memory_space<hbm>>) offsets(%dma_start3A_211 : memref<128xi32, #tpu.memory_space<vmem>>) semaphore(%arg13 : memref<!tpu.dma_semaphore, #tpu.memory_space<semaphore_mem>>)
    %dma_start3A_215 = arith.constant 3 : i32
    %dma_start3A_216 = arith.constant 128 : i32
    %dma_start3A_217 = arith.constant 0 : i32
    %dma_start3A_218 = tpu.memref_slice %arg11[%dma_start3A_216, %dma_start3A_217] : memref<256x256xf32, #tpu.memory_space<vmem>> -> memref<128x256xf32, #tpu.memory_space<vmem>>
    %dma_start3A_219 = arith.constant 0 : i32
    %dma_start3A_220 = tpu.memref_slice %arg9[%dma_start3A_215, %dma_start3A_219] : memref<4x128xi32, #tpu.memory_space<vmem>> -> memref<1x128xi32, #tpu.memory_space<vmem>>
    %dma_start3A_221 = tpu.memref_squeeze %dma_start3A_220 : memref<1x128xi32, #tpu.memory_space<vmem>> -> memref<128xi32, #tpu.memory_space<vmem>>
    %dma_start3A_222 = arith.constant 0 : i32
    %dma_start3A_223 = arith.constant 0 : i32
    %dma_start3A_224 = tpu.memref_slice %arg6[%dma_start3A_222, %dma_start3A_223] : memref<16384x256xf32, #tpu.memory_space<hbm>> -> memref<16384x256xf32, #tpu.memory_space<hbm>>
    tpu.enqueue_indirect_dma source(%dma_start3A_218 : memref<128x256xf32, #tpu.memory_space<vmem>>) target(%dma_start3A_224 : memref<16384x256xf32, #tpu.memory_space<hbm>>) offsets(%dma_start3A_221 : memref<128xi32, #tpu.memory_space<vmem>>) semaphore(%arg13 : memref<!tpu.dma_semaphore, #tpu.memory_space<semaphore_mem>>)
    %dma_wait3A_225 = arith.constant 2 : i32
    %dma_wait3A_226 = arith.constant 0 : i32
    %dma_wait3A_227 = arith.constant 0 : i32
    %dma_wait3A_228 = tpu.memref_slice %arg10[%dma_wait3A_226, %dma_wait3A_227] : memref<256x128xf32, #tpu.memory_space<vmem>> -> memref<128x128xf32, #tpu.memory_space<vmem>>
    %dma_wait3A_229 = arith.constant 0 : i32
    %dma_wait3A_230 = tpu.memref_slice %arg9[%dma_wait3A_225, %dma_wait3A_229] : memref<4x128xi32, #tpu.memory_space<vmem>> -> memref<1x128xi32, #tpu.memory_space<vmem>>
    %dma_wait3A_231 = tpu.memref_squeeze %dma_wait3A_230 : memref<1x128xi32, #tpu.memory_space<vmem>> -> memref<128xi32, #tpu.memory_space<vmem>>
    %dma_wait3A_232 = arith.constant 0 : i32
    %dma_wait3A_233 = arith.constant 0 : i32
    %dma_wait3A_234 = tpu.memref_slice %arg7[%dma_wait3A_232, %dma_wait3A_233] : memref<16384x128xf32, #tpu.memory_space<hbm>> -> memref<16384x128xf32, #tpu.memory_space<hbm>>
    tpu.wait_indirect_dma semaphore(%arg12 : memref<!tpu.dma_semaphore, #tpu.memory_space<semaphore_mem>>) src(%dma_wait3A_228 : memref<128x128xf32, #tpu.memory_space<vmem>>) dst(%dma_wait3A_234 : memref<16384x128xf32, #tpu.memory_space<hbm>>)
    %dma_wait3A_235 = arith.constant 2 : i32
    %dma_wait3A_236 = arith.constant 0 : i32
    %dma_wait3A_237 = arith.constant 0 : i32
    %dma_wait3A_238 = tpu.memref_slice %arg11[%dma_wait3A_236, %dma_wait3A_237] : memref<256x256xf32, #tpu.memory_space<vmem>> -> memref<128x256xf32, #tpu.memory_space<vmem>>
    %dma_wait3A_239 = arith.constant 0 : i32
    %dma_wait3A_240 = tpu.memref_slice %arg9[%dma_wait3A_235, %dma_wait3A_239] : memref<4x128xi32, #tpu.memory_space<vmem>> -> memref<1x128xi32, #tpu.memory_space<vmem>>
    %dma_wait3A_241 = tpu.memref_squeeze %dma_wait3A_240 : memref<1x128xi32, #tpu.memory_space<vmem>> -> memref<128xi32, #tpu.memory_space<vmem>>
    %dma_wait3A_242 = arith.constant 0 : i32
    %dma_wait3A_243 = arith.constant 0 : i32
    %dma_wait3A_244 = tpu.memref_slice %arg6[%dma_wait3A_242, %dma_wait3A_243] : memref<16384x256xf32, #tpu.memory_space<hbm>> -> memref<16384x256xf32, #tpu.memory_space<hbm>>
    tpu.wait_indirect_dma semaphore(%arg13 : memref<!tpu.dma_semaphore, #tpu.memory_space<semaphore_mem>>) src(%dma_wait3A_238 : memref<128x256xf32, #tpu.memory_space<vmem>>) dst(%dma_wait3A_244 : memref<16384x256xf32, #tpu.memory_space<hbm>>)
    %dma_wait3A_245 = arith.constant 3 : i32
    %dma_wait3A_246 = arith.constant 128 : i32
    %dma_wait3A_247 = arith.constant 0 : i32
    %dma_wait3A_248 = tpu.memref_slice %arg10[%dma_wait3A_246, %dma_wait3A_247] : memref<256x128xf32, #tpu.memory_space<vmem>> -> memref<128x128xf32, #tpu.memory_space<vmem>>
    %dma_wait3A_249 = arith.constant 0 : i32
    %dma_wait3A_250 = tpu.memref_slice %arg9[%dma_wait3A_245, %dma_wait3A_249] : memref<4x128xi32, #tpu.memory_space<vmem>> -> memref<1x128xi32, #tpu.memory_space<vmem>>
    %dma_wait3A_251 = tpu.memref_squeeze %dma_wait3A_250 : memref<1x128xi32, #tpu.memory_space<vmem>> -> memref<128xi32, #tpu.memory_space<vmem>>
    %dma_wait3A_252 = arith.constant 0 : i32
    %dma_wait3A_253 = arith.constant 0 : i32
    %dma_wait3A_254 = tpu.memref_slice %arg7[%dma_wait3A_252, %dma_wait3A_253] : memref<16384x128xf32, #tpu.memory_space<hbm>> -> memref<16384x128xf32, #tpu.memory_space<hbm>>
    tpu.wait_indirect_dma semaphore(%arg12 : memref<!tpu.dma_semaphore, #tpu.memory_space<semaphore_mem>>) src(%dma_wait3A_248 : memref<128x128xf32, #tpu.memory_space<vmem>>) dst(%dma_wait3A_254 : memref<16384x128xf32, #tpu.memory_space<hbm>>)
    %dma_wait3A_255 = arith.constant 3 : i32
    %dma_wait3A_256 = arith.constant 128 : i32
    %dma_wait3A_257 = arith.constant 0 : i32
    %dma_wait3A_258 = tpu.memref_slice %arg11[%dma_wait3A_256, %dma_wait3A_257] : memref<256x256xf32, #tpu.memory_space<vmem>> -> memref<128x256xf32, #tpu.memory_space<vmem>>
    %dma_wait3A_259 = arith.constant 0 : i32
    %dma_wait3A_260 = tpu.memref_slice %arg9[%dma_wait3A_255, %dma_wait3A_259] : memref<4x128xi32, #tpu.memory_space<vmem>> -> memref<1x128xi32, #tpu.memory_space<vmem>>
    %dma_wait3A_261 = tpu.memref_squeeze %dma_wait3A_260 : memref<1x128xi32, #tpu.memory_space<vmem>> -> memref<128xi32, #tpu.memory_space<vmem>>
    %dma_wait3A_262 = arith.constant 0 : i32
    %dma_wait3A_263 = arith.constant 0 : i32
    %dma_wait3A_264 = tpu.memref_slice %arg6[%dma_wait3A_262, %dma_wait3A_263] : memref<16384x256xf32, #tpu.memory_space<hbm>> -> memref<16384x256xf32, #tpu.memory_space<hbm>>
    tpu.wait_indirect_dma semaphore(%arg13 : memref<!tpu.dma_semaphore, #tpu.memory_space<semaphore_mem>>) src(%dma_wait3A_258 : memref<128x256xf32, #tpu.memory_space<vmem>>) dst(%dma_wait3A_264 : memref<16384x256xf32, #tpu.memory_space<hbm>>)
    return
  }
}

#map = affine_map<(d0, d1) -> (0, 0)>
module attributes {stable_mosaic.version = 14 : i64} {
  func.func @_sc_gather_kernel(%arg0: i32, %arg1: i32, %arg2: memref<16384x128xf32, #tpu.memory_space<hbm>>, %arg3: memref<128x128xi32, #tpu.memory_space<hbm>>, %arg4: memref<16384x128xf32, #tpu.memory_space<hbm>>, %arg5: memref<4x128xi32, #tpu.memory_space<vmem>>, %arg6: memref<512x128xf32, #tpu.memory_space<vmem>>, %arg7: memref<!tpu.dma_semaphore, #tpu.memory_space<semaphore_mem>>) attributes {dimension_semantics = [#tpu.dimension_semantics<core_parallel>, #tpu.dimension_semantics<subcore_parallel>], iteration_bounds = array<i64: 2, 16>, scalar_prefetch = 0 : i64, scratch_operands = 3 : i64, tpu.core_type = #tpu.core_type<sc_vector_subcore>, window_params = [{transform_indices = #map}, {transform_indices = #map}, {transform_indices = #map}]} {
    %mul3A = arith.constant 2 : i32
    %mul3A_0 = arith.muli %arg1, %mul3A : i32
    %add3A = arith.addi %mul3A_0, %arg0 : i32
    %mul3A_1 = arith.constant 512 : i32
    %mul3A_2 = arith.muli %add3A, %mul3A_1 : i32
    %mul3A_3 = arith.constant 4 : i32
    %mul3A_4 = arith.muli %add3A, %mul3A_3 : i32
    "tpu.region"() ({
      %run_scoped3A = tpu.sem_alloc : memref<!tpu.dma_semaphore, #tpu.memory_space<semaphore_mem>>
      %dma_start3A_83 = arith.constant 0 : i32
      %dma_start3A_84 = tpu.memref_slice %arg3[%mul3A_4, %dma_start3A_83] : memref<128x128xi32, #tpu.memory_space<hbm>> -> memref<4x128xi32, #tpu.memory_space<hbm>>
      %dma_start3A_85 = arith.constant 0 : i32
      %dma_start3A_86 = tpu.memref_slice %arg3[%mul3A_4, %dma_start3A_85] : memref<128x128xi32, #tpu.memory_space<hbm>> -> memref<4x128xi32, #tpu.memory_space<hbm>>
      tpu.enqueue_dma source(%dma_start3A_86 : memref<4x128xi32, #tpu.memory_space<hbm>>) target(%arg5 : memref<4x128xi32, #tpu.memory_space<vmem>>) target_semaphore(%run_scoped3A : memref<!tpu.dma_semaphore, #tpu.memory_space<semaphore_mem>>)
      %dma_wait3A_87 = arith.constant 0 : i32
      %dma_wait3A_88 = tpu.memref_slice %arg3[%mul3A_4, %dma_wait3A_87] : memref<128x128xi32, #tpu.memory_space<hbm>> -> memref<4x128xi32, #tpu.memory_space<hbm>>
      %dma_wait3A_89 = arith.constant 0 : i32
      %dma_wait3A_90 = tpu.memref_slice %arg3[%mul3A_4, %dma_wait3A_89] : memref<128x128xi32, #tpu.memory_space<hbm>> -> memref<4x128xi32, #tpu.memory_space<hbm>>
      tpu.wait_dma2 semaphore(%run_scoped3A : memref<!tpu.dma_semaphore, #tpu.memory_space<semaphore_mem>>) src(%dma_wait3A_90 : memref<4x128xi32, #tpu.memory_space<hbm>>) dst(%arg5 : memref<4x128xi32, #tpu.memory_space<vmem>>)
      tpu.yield
    }) : () -> ()
    %dma_start3A = arith.constant 0 : i32
    %dma_start3A_5 = arith.constant 0 : i32
    %dma_start3A_6 = arith.constant 0 : i32
    %dma_start3A_7 = tpu.memref_slice %arg6[%dma_start3A_5, %dma_start3A_6] : memref<512x128xf32, #tpu.memory_space<vmem>> -> memref<128x128xf32, #tpu.memory_space<vmem>>
    %dma_start3A_8 = arith.constant 0 : i32
    %dma_start3A_9 = tpu.memref_slice %arg5[%dma_start3A, %dma_start3A_8] : memref<4x128xi32, #tpu.memory_space<vmem>> -> memref<1x128xi32, #tpu.memory_space<vmem>>
    %dma_start3A_10 = tpu.memref_squeeze %dma_start3A_9 : memref<1x128xi32, #tpu.memory_space<vmem>> -> memref<128xi32, #tpu.memory_space<vmem>>
    %dma_start3A_11 = arith.constant 0 : i32
    %dma_start3A_12 = arith.constant 0 : i32
    %dma_start3A_13 = tpu.memref_slice %arg2[%dma_start3A_11, %dma_start3A_12] : memref<16384x128xf32, #tpu.memory_space<hbm>> -> memref<16384x128xf32, #tpu.memory_space<hbm>>
    tpu.enqueue_indirect_dma source(%dma_start3A_13 : memref<16384x128xf32, #tpu.memory_space<hbm>>) target(%dma_start3A_7 : memref<128x128xf32, #tpu.memory_space<vmem>>) offsets(%dma_start3A_10 : memref<128xi32, #tpu.memory_space<vmem>>) semaphore(%arg7 : memref<!tpu.dma_semaphore, #tpu.memory_space<semaphore_mem>>)
    %dma_start3A_14 = arith.constant 1 : i32
    %dma_start3A_15 = arith.constant 128 : i32
    %dma_start3A_16 = arith.constant 0 : i32
    %dma_start3A_17 = tpu.memref_slice %arg6[%dma_start3A_15, %dma_start3A_16] : memref<512x128xf32, #tpu.memory_space<vmem>> -> memref<128x128xf32, #tpu.memory_space<vmem>>
    %dma_start3A_18 = arith.constant 0 : i32
    %dma_start3A_19 = tpu.memref_slice %arg5[%dma_start3A_14, %dma_start3A_18] : memref<4x128xi32, #tpu.memory_space<vmem>> -> memref<1x128xi32, #tpu.memory_space<vmem>>
    %dma_start3A_20 = tpu.memref_squeeze %dma_start3A_19 : memref<1x128xi32, #tpu.memory_space<vmem>> -> memref<128xi32, #tpu.memory_space<vmem>>
    %dma_start3A_21 = arith.constant 0 : i32
    %dma_start3A_22 = arith.constant 0 : i32
    %dma_start3A_23 = tpu.memref_slice %arg2[%dma_start3A_21, %dma_start3A_22] : memref<16384x128xf32, #tpu.memory_space<hbm>> -> memref<16384x128xf32, #tpu.memory_space<hbm>>
    tpu.enqueue_indirect_dma source(%dma_start3A_23 : memref<16384x128xf32, #tpu.memory_space<hbm>>) target(%dma_start3A_17 : memref<128x128xf32, #tpu.memory_space<vmem>>) offsets(%dma_start3A_20 : memref<128xi32, #tpu.memory_space<vmem>>) semaphore(%arg7 : memref<!tpu.dma_semaphore, #tpu.memory_space<semaphore_mem>>)
    %dma_start3A_24 = arith.constant 2 : i32
    %dma_start3A_25 = arith.constant 256 : i32
    %dma_start3A_26 = arith.constant 0 : i32
    %dma_start3A_27 = tpu.memref_slice %arg6[%dma_start3A_25, %dma_start3A_26] : memref<512x128xf32, #tpu.memory_space<vmem>> -> memref<128x128xf32, #tpu.memory_space<vmem>>
    %dma_start3A_28 = arith.constant 0 : i32
    %dma_start3A_29 = tpu.memref_slice %arg5[%dma_start3A_24, %dma_start3A_28] : memref<4x128xi32, #tpu.memory_space<vmem>> -> memref<1x128xi32, #tpu.memory_space<vmem>>
    %dma_start3A_30 = tpu.memref_squeeze %dma_start3A_29 : memref<1x128xi32, #tpu.memory_space<vmem>> -> memref<128xi32, #tpu.memory_space<vmem>>
    %dma_start3A_31 = arith.constant 0 : i32
    %dma_start3A_32 = arith.constant 0 : i32
    %dma_start3A_33 = tpu.memref_slice %arg2[%dma_start3A_31, %dma_start3A_32] : memref<16384x128xf32, #tpu.memory_space<hbm>> -> memref<16384x128xf32, #tpu.memory_space<hbm>>
    tpu.enqueue_indirect_dma source(%dma_start3A_33 : memref<16384x128xf32, #tpu.memory_space<hbm>>) target(%dma_start3A_27 : memref<128x128xf32, #tpu.memory_space<vmem>>) offsets(%dma_start3A_30 : memref<128xi32, #tpu.memory_space<vmem>>) semaphore(%arg7 : memref<!tpu.dma_semaphore, #tpu.memory_space<semaphore_mem>>)
    %dma_start3A_34 = arith.constant 3 : i32
    %dma_start3A_35 = arith.constant 384 : i32
    %dma_start3A_36 = arith.constant 0 : i32
    %dma_start3A_37 = tpu.memref_slice %arg6[%dma_start3A_35, %dma_start3A_36] : memref<512x128xf32, #tpu.memory_space<vmem>> -> memref<128x128xf32, #tpu.memory_space<vmem>>
    %dma_start3A_38 = arith.constant 0 : i32
    %dma_start3A_39 = tpu.memref_slice %arg5[%dma_start3A_34, %dma_start3A_38] : memref<4x128xi32, #tpu.memory_space<vmem>> -> memref<1x128xi32, #tpu.memory_space<vmem>>
    %dma_start3A_40 = tpu.memref_squeeze %dma_start3A_39 : memref<1x128xi32, #tpu.memory_space<vmem>> -> memref<128xi32, #tpu.memory_space<vmem>>
    %dma_start3A_41 = arith.constant 0 : i32
    %dma_start3A_42 = arith.constant 0 : i32
    %dma_start3A_43 = tpu.memref_slice %arg2[%dma_start3A_41, %dma_start3A_42] : memref<16384x128xf32, #tpu.memory_space<hbm>> -> memref<16384x128xf32, #tpu.memory_space<hbm>>
    tpu.enqueue_indirect_dma source(%dma_start3A_43 : memref<16384x128xf32, #tpu.memory_space<hbm>>) target(%dma_start3A_37 : memref<128x128xf32, #tpu.memory_space<vmem>>) offsets(%dma_start3A_40 : memref<128xi32, #tpu.memory_space<vmem>>) semaphore(%arg7 : memref<!tpu.dma_semaphore, #tpu.memory_space<semaphore_mem>>)
    %dma_wait3A = arith.constant 0 : i32
    %dma_wait3A_44 = arith.constant 0 : i32
    %dma_wait3A_45 = arith.constant 0 : i32
    %dma_wait3A_46 = tpu.memref_slice %arg6[%dma_wait3A_44, %dma_wait3A_45] : memref<512x128xf32, #tpu.memory_space<vmem>> -> memref<128x128xf32, #tpu.memory_space<vmem>>
    %dma_wait3A_47 = arith.constant 0 : i32
    %dma_wait3A_48 = tpu.memref_slice %arg5[%dma_wait3A, %dma_wait3A_47] : memref<4x128xi32, #tpu.memory_space<vmem>> -> memref<1x128xi32, #tpu.memory_space<vmem>>
    %dma_wait3A_49 = tpu.memref_squeeze %dma_wait3A_48 : memref<1x128xi32, #tpu.memory_space<vmem>> -> memref<128xi32, #tpu.memory_space<vmem>>
    %dma_wait3A_50 = arith.constant 0 : i32
    %dma_wait3A_51 = arith.constant 0 : i32
    %dma_wait3A_52 = tpu.memref_slice %arg2[%dma_wait3A_50, %dma_wait3A_51] : memref<16384x128xf32, #tpu.memory_space<hbm>> -> memref<16384x128xf32, #tpu.memory_space<hbm>>
    tpu.wait_indirect_dma semaphore(%arg7 : memref<!tpu.dma_semaphore, #tpu.memory_space<semaphore_mem>>) src(%dma_wait3A_52 : memref<16384x128xf32, #tpu.memory_space<hbm>>) dst(%dma_wait3A_46 : memref<128x128xf32, #tpu.memory_space<vmem>>)
    %dma_wait3A_53 = arith.constant 1 : i32
    %dma_wait3A_54 = arith.constant 128 : i32
    %dma_wait3A_55 = arith.constant 0 : i32
    %dma_wait3A_56 = tpu.memref_slice %arg6[%dma_wait3A_54, %dma_wait3A_55] : memref<512x128xf32, #tpu.memory_space<vmem>> -> memref<128x128xf32, #tpu.memory_space<vmem>>
    %dma_wait3A_57 = arith.constant 0 : i32
    %dma_wait3A_58 = tpu.memref_slice %arg5[%dma_wait3A_53, %dma_wait3A_57] : memref<4x128xi32, #tpu.memory_space<vmem>> -> memref<1x128xi32, #tpu.memory_space<vmem>>
    %dma_wait3A_59 = tpu.memref_squeeze %dma_wait3A_58 : memref<1x128xi32, #tpu.memory_space<vmem>> -> memref<128xi32, #tpu.memory_space<vmem>>
    %dma_wait3A_60 = arith.constant 0 : i32
    %dma_wait3A_61 = arith.constant 0 : i32
    %dma_wait3A_62 = tpu.memref_slice %arg2[%dma_wait3A_60, %dma_wait3A_61] : memref<16384x128xf32, #tpu.memory_space<hbm>> -> memref<16384x128xf32, #tpu.memory_space<hbm>>
    tpu.wait_indirect_dma semaphore(%arg7 : memref<!tpu.dma_semaphore, #tpu.memory_space<semaphore_mem>>) src(%dma_wait3A_62 : memref<16384x128xf32, #tpu.memory_space<hbm>>) dst(%dma_wait3A_56 : memref<128x128xf32, #tpu.memory_space<vmem>>)
    %dma_wait3A_63 = arith.constant 2 : i32
    %dma_wait3A_64 = arith.constant 256 : i32
    %dma_wait3A_65 = arith.constant 0 : i32
    %dma_wait3A_66 = tpu.memref_slice %arg6[%dma_wait3A_64, %dma_wait3A_65] : memref<512x128xf32, #tpu.memory_space<vmem>> -> memref<128x128xf32, #tpu.memory_space<vmem>>
    %dma_wait3A_67 = arith.constant 0 : i32
    %dma_wait3A_68 = tpu.memref_slice %arg5[%dma_wait3A_63, %dma_wait3A_67] : memref<4x128xi32, #tpu.memory_space<vmem>> -> memref<1x128xi32, #tpu.memory_space<vmem>>
    %dma_wait3A_69 = tpu.memref_squeeze %dma_wait3A_68 : memref<1x128xi32, #tpu.memory_space<vmem>> -> memref<128xi32, #tpu.memory_space<vmem>>
    %dma_wait3A_70 = arith.constant 0 : i32
    %dma_wait3A_71 = arith.constant 0 : i32
    %dma_wait3A_72 = tpu.memref_slice %arg2[%dma_wait3A_70, %dma_wait3A_71] : memref<16384x128xf32, #tpu.memory_space<hbm>> -> memref<16384x128xf32, #tpu.memory_space<hbm>>
    tpu.wait_indirect_dma semaphore(%arg7 : memref<!tpu.dma_semaphore, #tpu.memory_space<semaphore_mem>>) src(%dma_wait3A_72 : memref<16384x128xf32, #tpu.memory_space<hbm>>) dst(%dma_wait3A_66 : memref<128x128xf32, #tpu.memory_space<vmem>>)
    %dma_wait3A_73 = arith.constant 3 : i32
    %dma_wait3A_74 = arith.constant 384 : i32
    %dma_wait3A_75 = arith.constant 0 : i32
    %dma_wait3A_76 = tpu.memref_slice %arg6[%dma_wait3A_74, %dma_wait3A_75] : memref<512x128xf32, #tpu.memory_space<vmem>> -> memref<128x128xf32, #tpu.memory_space<vmem>>
    %dma_wait3A_77 = arith.constant 0 : i32
    %dma_wait3A_78 = tpu.memref_slice %arg5[%dma_wait3A_73, %dma_wait3A_77] : memref<4x128xi32, #tpu.memory_space<vmem>> -> memref<1x128xi32, #tpu.memory_space<vmem>>
    %dma_wait3A_79 = tpu.memref_squeeze %dma_wait3A_78 : memref<1x128xi32, #tpu.memory_space<vmem>> -> memref<128xi32, #tpu.memory_space<vmem>>
    %dma_wait3A_80 = arith.constant 0 : i32
    %dma_wait3A_81 = arith.constant 0 : i32
    %dma_wait3A_82 = tpu.memref_slice %arg2[%dma_wait3A_80, %dma_wait3A_81] : memref<16384x128xf32, #tpu.memory_space<hbm>> -> memref<16384x128xf32, #tpu.memory_space<hbm>>
    tpu.wait_indirect_dma semaphore(%arg7 : memref<!tpu.dma_semaphore, #tpu.memory_space<semaphore_mem>>) src(%dma_wait3A_82 : memref<16384x128xf32, #tpu.memory_space<hbm>>) dst(%dma_wait3A_76 : memref<128x128xf32, #tpu.memory_space<vmem>>)
    "tpu.region"() ({
      %run_scoped3A = tpu.sem_alloc : memref<!tpu.dma_semaphore, #tpu.memory_space<semaphore_mem>>
      %dma_start3A_83 = arith.constant 0 : i32
      %dma_start3A_84 = tpu.memref_slice %arg4[%mul3A_2, %dma_start3A_83] : memref<16384x128xf32, #tpu.memory_space<hbm>> -> memref<512x128xf32, #tpu.memory_space<hbm>>
      %dma_start3A_85 = arith.constant 0 : i32
      %dma_start3A_86 = tpu.memref_slice %arg4[%mul3A_2, %dma_start3A_85] : memref<16384x128xf32, #tpu.memory_space<hbm>> -> memref<512x128xf32, #tpu.memory_space<hbm>>
      tpu.enqueue_dma source(%arg6 : memref<512x128xf32, #tpu.memory_space<vmem>>) target(%dma_start3A_86 : memref<512x128xf32, #tpu.memory_space<hbm>>) target_semaphore(%run_scoped3A : memref<!tpu.dma_semaphore, #tpu.memory_space<semaphore_mem>>)
      %dma_wait3A_87 = arith.constant 0 : i32
      %dma_wait3A_88 = tpu.memref_slice %arg4[%mul3A_2, %dma_wait3A_87] : memref<16384x128xf32, #tpu.memory_space<hbm>> -> memref<512x128xf32, #tpu.memory_space<hbm>>
      %dma_wait3A_89 = arith.constant 0 : i32
      %dma_wait3A_90 = tpu.memref_slice %arg4[%mul3A_2, %dma_wait3A_89] : memref<16384x128xf32, #tpu.memory_space<hbm>> -> memref<512x128xf32, #tpu.memory_space<hbm>>
      tpu.wait_dma2 semaphore(%run_scoped3A : memref<!tpu.dma_semaphore, #tpu.memory_space<semaphore_mem>>) src(%arg6 : memref<512x128xf32, #tpu.memory_space<vmem>>) dst(%dma_wait3A_90 : memref<512x128xf32, #tpu.memory_space<hbm>>)
      tpu.yield
    }) : () -> ()
    return
  }
}

module attributes {stable_mosaic.version = 14 : i64} {
  func.func @_dense_body(%arg0: i32, %arg1: memref<1024x128xf32, #tpu.memory_space<vmem>>, %arg2: memref<128x64xf32, #tpu.memory_space<vmem>>, %arg3: memref<1x64xf32, #tpu.memory_space<vmem>>, %arg4: memref<128x128xf32, #tpu.memory_space<vmem>>, %arg5: memref<1x128xf32, #tpu.memory_space<vmem>>, %arg6: memref<128x64xf32, #tpu.memory_space<vmem>>, %arg7: memref<1x64xf32, #tpu.memory_space<vmem>>, %arg8: memref<64x64xf32, #tpu.memory_space<vmem>>, %arg9: memref<1x64xf32, #tpu.memory_space<vmem>>, %arg10: memref<1x64xf32, #tpu.memory_space<vmem>>, %arg11: memref<1x1xf32, #tpu.memory_space<vmem>>, %arg12: memref<64x17xf32, #tpu.memory_space<vmem>>, %arg13: memref<1024x128xf32, #tpu.memory_space<vmem>>, %arg14: memref<1024x1xf32, #tpu.memory_space<vmem>>, %arg15: memref<1024x1xi32, #tpu.memory_space<vmem>>, %arg16: memref<1x2x128xf32, #tpu.memory_space<vmem>>) attributes {dimension_semantics = [#tpu.dimension_semantics<arbitrary>], iteration_bounds = array<i64: 16>, scalar_prefetch = 0 : i64, scratch_operands = 0 : i64, tpu.core_type = #tpu.core_type<tc>, window_params = [{transform_indices = @transform_0, window_bounds = array<i64: 1024, 128>}, {pipeline_mode = #tpu.pipeline_mode<synchronous>, transform_indices = @transform_1, window_bounds = array<i64: 128, 64>}, {pipeline_mode = #tpu.pipeline_mode<synchronous>, transform_indices = @transform_2, window_bounds = array<i64: 1, 64>}, {pipeline_mode = #tpu.pipeline_mode<synchronous>, transform_indices = @transform_3, window_bounds = array<i64: 128, 128>}, {pipeline_mode = #tpu.pipeline_mode<synchronous>, transform_indices = @transform_4, window_bounds = array<i64: 1, 128>}, {pipeline_mode = #tpu.pipeline_mode<synchronous>, transform_indices = @transform_5, window_bounds = array<i64: 128, 64>}, {pipeline_mode = #tpu.pipeline_mode<synchronous>, transform_indices = @transform_6, window_bounds = array<i64: 1, 64>}, {pipeline_mode = #tpu.pipeline_mode<synchronous>, transform_indices = @transform_7, window_bounds = array<i64: 64, 64>}, {pipeline_mode = #tpu.pipeline_mode<synchronous>, transform_indices = @transform_8, window_bounds = array<i64: 1, 64>}, {pipeline_mode = #tpu.pipeline_mode<synchronous>, transform_indices = @transform_9, window_bounds = array<i64: 1, 64>}, {pipeline_mode = #tpu.pipeline_mode<synchronous>, transform_indices = @transform_10, window_bounds = array<i64: 1, 1>}, {pipeline_mode = #tpu.pipeline_mode<synchronous>, transform_indices = @transform_11, window_bounds = array<i64: 64, 17>}, {transform_indices = @transform_12, window_bounds = array<i64: 1024, 128>}, {transform_indices = @transform_13, window_bounds = array<i64: 1024, 1>}, {transform_indices = @transform_14, window_bounds = array<i64: 1024, 1>}, {transform_indices = @transform_15, window_bounds = array<i64: 1, 2, 128>}]} {
    %get3A = arith.constant 0 : index
    %get3A_0 = arith.constant 0 : index
    %get3A_1 = vector.load %arg1[%get3A, %get3A_0] : memref<1024x128xf32, #tpu.memory_space<vmem>>, vector<1024x128xf32>
    %get3A_2 = arith.constant 0 : index
    %get3A_3 = arith.constant 0 : index
    %get3A_4 = vector.load %arg2[%get3A_2, %get3A_3] : memref<128x64xf32, #tpu.memory_space<vmem>>, vector<128x64xf32>
    %dot_general3A = arith.constant dense<0.000000e+00> : vector<1024x64xf32>
    %dot_general3A_5 = tpu.matmul %get3A_1, %get3A_4, %dot_general3A {dimension_numbers = #tpu.dot_dimension_numbers<[1], [0], [0], [1], [0, 0, 1, 1], [], []>, transpose_lhs_hint = false} : vector<1024x128xf32>, vector<128x64xf32>, vector<1024x64xf32> -> vector<1024x64xf32>
    %get3A_6 = arith.constant 0 : index
    %get3A_7 = arith.constant 0 : index
    %get3A_8 = vector.load %arg3[%get3A_6, %get3A_7] : memref<1x64xf32, #tpu.memory_space<vmem>>, vector<1x64xf32>
    %add3A = vector.broadcast %get3A_8 : vector<1x64xf32> to vector<1024x64xf32>
    %add3A_9 = arith.addf %dot_general3A_5, %add3A : vector<1024x64xf32>
    %get3A_10 = arith.constant 0 : index
    %get3A_11 = arith.constant 0 : index
    %get3A_12 = vector.load %arg4[%get3A_10, %get3A_11] : memref<128x128xf32, #tpu.memory_space<vmem>>, vector<128x128xf32>
    %dot_general3A_13 = arith.constant dense<0.000000e+00> : vector<1024x128xf32>
    %dot_general3A_14 = tpu.matmul %get3A_1, %get3A_12, %dot_general3A_13 {dimension_numbers = #tpu.dot_dimension_numbers<[1], [0], [0], [1], [0, 0, 1, 1], [], []>, transpose_lhs_hint = false} : vector<1024x128xf32>, vector<128x128xf32>, vector<1024x128xf32> -> vector<1024x128xf32>
    %get3A_15 = arith.constant 0 : index
    %get3A_16 = arith.constant 0 : index
    %get3A_17 = vector.load %arg5[%get3A_15, %get3A_16] : memref<1x128xf32, #tpu.memory_space<vmem>>, vector<1x128xf32>
    %add3A_18 = vector.broadcast %get3A_17 : vector<1x128xf32> to vector<1024x128xf32>
    %add3A_19 = arith.addf %dot_general3A_14, %add3A_18 : vector<1024x128xf32>
    %get3A_20 = arith.constant 0 : index
    %get3A_21 = arith.constant 0 : index
    %get3A_22 = vector.load %arg6[%get3A_20, %get3A_21] : memref<128x64xf32, #tpu.memory_space<vmem>>, vector<128x64xf32>
    %dot_general3A_23 = arith.constant dense<0.000000e+00> : vector<1024x64xf32>
    %dot_general3A_24 = tpu.matmul %get3A_1, %get3A_22, %dot_general3A_23 {dimension_numbers = #tpu.dot_dimension_numbers<[1], [0], [0], [1], [0, 0, 1, 1], [], []>, transpose_lhs_hint = false} : vector<1024x128xf32>, vector<128x64xf32>, vector<1024x64xf32> -> vector<1024x64xf32>
    %get3A_25 = arith.constant 0 : index
    %get3A_26 = arith.constant 0 : index
    %get3A_27 = vector.load %arg7[%get3A_25, %get3A_26] : memref<1x64xf32, #tpu.memory_space<vmem>>, vector<1x64xf32>
    %add3A_28 = vector.broadcast %get3A_27 : vector<1x64xf32> to vector<1024x64xf32>
    %add3A_29 = arith.addf %dot_general3A_24, %add3A_28 : vector<1024x64xf32>
    %get3A_30 = arith.constant 0 : index
    %get3A_31 = arith.constant 0 : index
    %get3A_32 = vector.load %arg8[%get3A_30, %get3A_31] : memref<64x64xf32, #tpu.memory_space<vmem>>, vector<64x64xf32>
    %dot_general3A_33 = arith.constant dense<0.000000e+00> : vector<1024x64xf32>
    %dot_general3A_34 = tpu.matmul %add3A_29, %get3A_32, %dot_general3A_33 {dimension_numbers = #tpu.dot_dimension_numbers<[1], [0], [0], [1], [0, 0, 1, 1], [], []>, transpose_lhs_hint = false} : vector<1024x64xf32>, vector<64x64xf32>, vector<1024x64xf32> -> vector<1024x64xf32>
    %get3A_35 = arith.constant 0 : index
    %get3A_36 = arith.constant 0 : index
    %get3A_37 = vector.load %arg9[%get3A_35, %get3A_36] : memref<1x64xf32, #tpu.memory_space<vmem>>, vector<1x64xf32>
    %add3A_38 = vector.broadcast %get3A_37 : vector<1x64xf32> to vector<1024x64xf32>
    %add3A_39 = arith.addf %dot_general3A_34, %add3A_38 : vector<1024x64xf32>
    %max3A = arith.constant 0.000000e+00 : f32
    %max3A_40 = vector.broadcast %max3A : f32 to vector<1024x64xf32>
    %max3A_41 = arith.maximumf %add3A_39, %max3A_40 : vector<1024x64xf32>
    %get3A_42 = arith.constant 0 : index
    %get3A_43 = arith.constant 0 : index
    %get3A_44 = vector.load %arg10[%get3A_42, %get3A_43] : memref<1x64xf32, #tpu.memory_space<vmem>>, vector<1x64xf32>
    %mul3A = vector.broadcast %get3A_44 : vector<1x64xf32> to vector<1024x64xf32>
    %mul3A_45 = arith.mulf %max3A_41, %mul3A : vector<1024x64xf32>
    %reduce_sum3A = arith.constant dense<0.000000e+00> : vector<1024xf32>
    %reduce_sum3A_46 = vector.multi_reduction <add>, %mul3A_45, %reduce_sum3A [1] : vector<1024x64xf32> to vector<1024xf32>
    %broadcast_in_dim3A = vector.shape_cast %reduce_sum3A_46 : vector<1024xf32> to vector<1024x1xf32>
    %get3A_47 = arith.constant 0 : index
    %get3A_48 = arith.constant 0 : index
    %get3A_49 = vector.load %arg11[%get3A_47, %get3A_48] : memref<1x1xf32, #tpu.memory_space<vmem>>, vector<1x1xf32>
    %add3A_50 = vector.broadcast %get3A_49 : vector<1x1xf32> to vector<1024x1xf32>
    %add3A_51 = arith.addf %broadcast_in_dim3A, %add3A_50 : vector<1024x1xf32>
    %logistic3A = arith.negf %add3A_51 : vector<1024x1xf32>
    %logistic3A_52 = math.exp %logistic3A : vector<1024x1xf32>
    %logistic3A_53 = arith.constant 1.000000e+00 : f32
    %logistic3A_54 = vector.broadcast %logistic3A_53 : f32 to vector<1024x1xf32>
    %logistic3A_55 = arith.addf %logistic3A_54, %logistic3A_52 : vector<1024x1xf32>
    %logistic3A_56 = arith.divf %logistic3A_54, %logistic3A_55 : vector<1024x1xf32>
    %get3A_57 = arith.constant 0 : index
    %get3A_58 = arith.constant 0 : index
    %get3A_59 = vector.load %arg12[%get3A_57, %get3A_58] : memref<64x17xf32, #tpu.memory_space<vmem>>, vector<64x17xf32>
    %dot_general3A_60 = arith.constant dense<0.000000e+00> : vector<1024x17xf32>
    %dot_general3A_61 = tpu.matmul %add3A_9, %get3A_59, %dot_general3A_60 {dimension_numbers = #tpu.dot_dimension_numbers<[1], [0], [0], [1], [0, 0, 1, 1], [], []>, transpose_lhs_hint = false} : vector<1024x64xf32>, vector<64x17xf32>, vector<1024x17xf32> -> vector<1024x17xf32>
    %gt3A = arith.constant 0.000000e+00 : f32
    %gt3A_62 = vector.broadcast %gt3A : f32 to vector<1024x17xf32>
    %gt3A_63 = arith.cmpf ogt, %dot_general3A_61, %gt3A_62 : vector<1024x17xf32>
    %convert_element_type3A = arith.extui %gt3A_63 : vector<1024x17xi1> to vector<1024x17xi32>
    %iota3A = tpu.iota {dimensions = array<i32: 1>} : vector<1x17xi32>
    %shift_left3A = arith.constant 1 : i32
    %shift_left3A_64 = vector.broadcast %shift_left3A : i32 to vector<1x17xi32>
    %shift_left3A_65 = arith.shli %shift_left3A_64, %iota3A : vector<1x17xi32>
    %mul3A_66 = vector.broadcast %shift_left3A_65 : vector<1x17xi32> to vector<1024x17xi32>
    %mul3A_67 = arith.muli %convert_element_type3A, %mul3A_66 : vector<1024x17xi32>
    %reduce_sum3A_68 = arith.constant dense<0> : vector<1024xi32>
    %reduce_sum3A_69 = vector.multi_reduction <add>, %mul3A_67, %reduce_sum3A_68 [1] : vector<1024x17xi32> to vector<1024xi32>
    %broadcast_in_dim3A_70 = vector.shape_cast %reduce_sum3A_69 : vector<1024xi32> to vector<1024x1xi32>
    %swap3A = arith.constant 0 : index
    %swap3A_71 = arith.constant 0 : index
    %swap3A_72 = vector.load %arg13[%swap3A, %swap3A_71] : memref<1024x128xf32, #tpu.memory_space<vmem>>, vector<1024x128xf32>
    tpu.vector_store %arg13[%swap3A, %swap3A_71], %add3A_19 {strides = array<i32>} : memref<1024x128xf32, #tpu.memory_space<vmem>>, vector<1024x128xf32>,
    %swap3A_73 = arith.constant 0 : index
    %swap3A_74 = arith.constant 0 : index
    %swap3A_75 = vector.load %arg14[%swap3A_73, %swap3A_74] : memref<1024x1xf32, #tpu.memory_space<vmem>>, vector<1024x1xf32>
    tpu.vector_store %arg14[%swap3A_73, %swap3A_74], %logistic3A_56 {strides = array<i32>} : memref<1024x1xf32, #tpu.memory_space<vmem>>, vector<1024x1xf32>,
    %swap3A_76 = arith.constant 0 : index
    %swap3A_77 = arith.constant 0 : index
    %swap3A_78 = vector.load %arg15[%swap3A_76, %swap3A_77] : memref<1024x1xi32, #tpu.memory_space<vmem>>, vector<1024x1xi32>
    tpu.vector_store %arg15[%swap3A_76, %swap3A_77], %broadcast_in_dim3A_70 {strides = array<i32>} : memref<1024x1xi32, #tpu.memory_space<vmem>>, vector<1024x1xi32>,
    %shift_right_arithmetic3A = arith.constant 10 : i32
    %shift_right_arithmetic3A_79 = vector.broadcast %shift_right_arithmetic3A : i32 to vector<1024x1xi32>
    %shift_right_arithmetic3A_80 = arith.shrsi %broadcast_in_dim3A_70, %shift_right_arithmetic3A_79 : vector<1024x1xi32>
    %iota3A_81 = tpu.iota {dimensions = array<i32: 1>} : vector<1x128xi32>
    %eq3A = vector.broadcast %shift_right_arithmetic3A_80 : vector<1024x1xi32> to vector<1024x128xi32>
    %eq3A_82 = vector.broadcast %iota3A_81 : vector<1x128xi32> to vector<1024x128xi32>
    %eq3A_83 = arith.cmpi eq, %eq3A, %eq3A_82 : vector<1024x128xi32>
    %jit3A = arith.constant 1.000000e+00 : f32
    %jit3A_84 = arith.constant 0.000000e+00 : f32
    %broadcast_in_dim3A_85 = vector.broadcast %jit3A : f32 to vector<1024x128xf32>
    %broadcast_in_dim3A_86 = vector.broadcast %jit3A_84 : f32 to vector<1024x128xf32>
    %select_n3A = arith.select %eq3A_83, %broadcast_in_dim3A_85, %broadcast_in_dim3A_86 : vector<1024x128xi1>, vector<1024x128xf32>
    %slice3A = vector.extract_strided_slice %select_n3A {offsets = [0, 0], sizes = [512, 128], strides = [1, 1]} : vector<1024x128xf32> to vector<512x128xf32>
    %reduce_sum3A_87 = arith.constant dense<0.000000e+00> : vector<128xf32>
    %reduce_sum3A_88 = vector.multi_reduction <add>, %slice3A, %reduce_sum3A_87 [0] : vector<512x128xf32> to vector<128xf32>
    %broadcast_in_dim3A_89 = vector.shape_cast %reduce_sum3A_88 : vector<128xf32> to vector<1x128xf32>
    %slice3A_90 = vector.extract_strided_slice %select_n3A {offsets = [512, 0], sizes = [512, 128], strides = [1, 1]} : vector<1024x128xf32> to vector<512x128xf32>
    %reduce_sum3A_91 = arith.constant dense<0.000000e+00> : vector<128xf32>
    %reduce_sum3A_92 = vector.multi_reduction <add>, %slice3A_90, %reduce_sum3A_91 [0] : vector<512x128xf32> to vector<128xf32>
    %broadcast_in_dim3A_93 = vector.shape_cast %reduce_sum3A_92 : vector<128xf32> to vector<1x128xf32>
    %concatenate3A = tpu.concatenate %broadcast_in_dim3A_89, %broadcast_in_dim3A_93 in 0 : vector<1x128xf32>, vector<1x128xf32> -> vector<2x128xf32>
    %reshape3A = vector.shape_cast %concatenate3A : vector<2x128xf32> to vector<1x2x128xf32>
    %swap3A_94 = arith.constant 0 : index
    %swap3A_95 = arith.constant 0 : index
    %swap3A_96 = arith.constant 0 : index
    %swap3A_97 = vector.load %arg16[%swap3A_94, %swap3A_95, %swap3A_96] : memref<1x2x128xf32, #tpu.memory_space<vmem>>, vector<1x2x128xf32>
    tpu.vector_store %arg16[%swap3A_94, %swap3A_95, %swap3A_96], %reshape3A {strides = array<i32>} : memref<1x2x128xf32, #tpu.memory_space<vmem>>, vector<1x2x128xf32>,
    return
  }
  func.func @transform_0(%arg0: i32) -> (i32, i32) {
    %c0_i32 = arith.constant 0 : i32
    %c0_i32_0 = arith.constant 0 : i32
    return %arg0, %c0_i32 : i32, i32
  }
  func.func @transform_1(%arg0: i32) -> (i32, i32) {
    %c0_i32 = arith.constant 0 : i32
    %c0_i32_0 = arith.constant 0 : i32
    %c0_i32_1 = arith.constant 0 : i32
    return %c0_i32, %c0_i32_0 : i32, i32
  }
  func.func @transform_2(%arg0: i32) -> (i32, i32) {
    %c0_i32 = arith.constant 0 : i32
    %c0_i32_0 = arith.constant 0 : i32
    %c0_i32_1 = arith.constant 0 : i32
    return %c0_i32, %c0_i32_0 : i32, i32
  }
  func.func @transform_3(%arg0: i32) -> (i32, i32) {
    %c0_i32 = arith.constant 0 : i32
    %c0_i32_0 = arith.constant 0 : i32
    %c0_i32_1 = arith.constant 0 : i32
    return %c0_i32, %c0_i32_0 : i32, i32
  }
  func.func @transform_4(%arg0: i32) -> (i32, i32) {
    %c0_i32 = arith.constant 0 : i32
    %c0_i32_0 = arith.constant 0 : i32
    %c0_i32_1 = arith.constant 0 : i32
    return %c0_i32, %c0_i32_0 : i32, i32
  }
  func.func @transform_5(%arg0: i32) -> (i32, i32) {
    %c0_i32 = arith.constant 0 : i32
    %c0_i32_0 = arith.constant 0 : i32
    %c0_i32_1 = arith.constant 0 : i32
    return %c0_i32, %c0_i32_0 : i32, i32
  }
  func.func @transform_6(%arg0: i32) -> (i32, i32) {
    %c0_i32 = arith.constant 0 : i32
    %c0_i32_0 = arith.constant 0 : i32
    %c0_i32_1 = arith.constant 0 : i32
    return %c0_i32, %c0_i32_0 : i32, i32
  }
  func.func @transform_7(%arg0: i32) -> (i32, i32) {
    %c0_i32 = arith.constant 0 : i32
    %c0_i32_0 = arith.constant 0 : i32
    %c0_i32_1 = arith.constant 0 : i32
    return %c0_i32, %c0_i32_0 : i32, i32
  }
  func.func @transform_8(%arg0: i32) -> (i32, i32) {
    %c0_i32 = arith.constant 0 : i32
    %c0_i32_0 = arith.constant 0 : i32
    %c0_i32_1 = arith.constant 0 : i32
    return %c0_i32, %c0_i32_0 : i32, i32
  }
  func.func @transform_9(%arg0: i32) -> (i32, i32) {
    %c0_i32 = arith.constant 0 : i32
    %c0_i32_0 = arith.constant 0 : i32
    %c0_i32_1 = arith.constant 0 : i32
    return %c0_i32, %c0_i32_0 : i32, i32
  }
  func.func @transform_10(%arg0: i32) -> (i32, i32) {
    %c0_i32 = arith.constant 0 : i32
    %c0_i32_0 = arith.constant 0 : i32
    %c0_i32_1 = arith.constant 0 : i32
    return %c0_i32, %c0_i32_0 : i32, i32
  }
  func.func @transform_11(%arg0: i32) -> (i32, i32) {
    %c0_i32 = arith.constant 0 : i32
    %c0_i32_0 = arith.constant 0 : i32
    %c0_i32_1 = arith.constant 0 : i32
    return %c0_i32, %c0_i32_0 : i32, i32
  }
  func.func @transform_12(%arg0: i32) -> (i32, i32) {
    %c0_i32 = arith.constant 0 : i32
    %c0_i32_0 = arith.constant 0 : i32
    return %arg0, %c0_i32 : i32, i32
  }
  func.func @transform_13(%arg0: i32) -> (i32, i32) {
    %c0_i32 = arith.constant 0 : i32
    %c0_i32_0 = arith.constant 0 : i32
    return %arg0, %c0_i32 : i32, i32
  }
  func.func @transform_14(%arg0: i32) -> (i32, i32) {
    %c0_i32 = arith.constant 0 : i32
    %c0_i32_0 = arith.constant 0 : i32
    return %arg0, %c0_i32 : i32, i32
  }
  func.func @transform_15(%arg0: i32) -> (i32, i32, i32) {
    %c0_i32 = arith.constant 0 : i32
    %c0_i32_0 = arith.constant 0 : i32
    %c0_i32_1 = arith.constant 0 : i32
    return %arg0, %c0_i32, %c0_i32_0 : i32, i32, i32
  }
}

module attributes {stable_mosaic.version = 14 : i64} {
  func.func @_p2_body(%arg0: i32, %arg1: memref<32x128xf32, #tpu.memory_space<vmem>>, %arg2: memref<32x1x128xf32, #tpu.memory_space<vmem>>, %arg3: memref<32x1xi32, #tpu.memory_space<vmem>>, %arg4: memref<32x1xi32, #tpu.memory_space<vmem>>) attributes {dimension_semantics = [#tpu.dimension_semantics<arbitrary>], iteration_bounds = array<i64: 1>, scalar_prefetch = 0 : i64, scratch_operands = 0 : i64, tpu.core_type = #tpu.core_type<tc>, window_params = [{pipeline_mode = #tpu.pipeline_mode<synchronous>, transform_indices = @transform_0, window_bounds = array<i64: 32, 128>}, {pipeline_mode = #tpu.pipeline_mode<synchronous>, transform_indices = @transform_1, window_bounds = array<i64: 32, 1, 128>}, {pipeline_mode = #tpu.pipeline_mode<synchronous>, transform_indices = @transform_2, window_bounds = array<i64: 32, 1>}, {pipeline_mode = #tpu.pipeline_mode<synchronous>, transform_indices = @transform_3, window_bounds = array<i64: 32, 1>}]} {
    %broadcast_in_dim3A = arith.constant 0.000000e+00 : f32
    %broadcast_in_dim3A_0 = vector.broadcast %broadcast_in_dim3A : f32 to vector<1x128xf32>
    %scan3A = arith.constant 0 : i32
    %scan3A_1 = arith.constant 32 : i32
    %scan3A_2 = arith.addi %scan3A, %scan3A_1 : i32
    %scan3A_3 = arith.constant 1 : i32
    %scan3A_4 = scf.for %scan3A_123 = %scan3A to %scan3A_2 step %scan3A_3 iter_args(%scan3A_124 = %broadcast_in_dim3A_0) -> (vector<1x128xf32>)  : i32 {
      %reshape3A_125 = vector.shape_cast %scan3A_124 : vector<1x128xf32> to vector<1x1x128xf32>
      %swap3A_126 = arith.index_cast %scan3A_123 : i32 to index
      %swap3A_127 = arith.constant 0 : index
      %swap3A_128 = arith.constant 0 : index
      %swap3A_129 = vector.load %arg2[%swap3A_126, %swap3A_127, %swap3A_128] : memref<32x1x128xf32, #tpu.memory_space<vmem>>, vector<1x1x128xf32>
      tpu.vector_store %arg2[%swap3A_126, %swap3A_127, %swap3A_128], %reshape3A_125 {strides = array<i32>} : memref<32x1x128xf32, #tpu.memory_space<vmem>>, vector<1x1x128xf32>,
      %get3A_130 = arith.index_cast %scan3A_123 : i32 to index
      %get3A_131 = arith.constant 0 : index
      %get3A_132 = vector.load %arg1[%get3A_130, %get3A_131] : memref<32x128xf32, #tpu.memory_space<vmem>>, vector<1x128xf32>
      %add3A_133 = arith.addf %scan3A_124, %get3A_132 : vector<1x128xf32>
      scf.yield %add3A_133 : vector<1x128xf32>
    }
    %scan3A_5 = arith.constant 32 : i32
    %iota3A = tpu.iota {dimensions = array<i32: 1>} : vector<1x128xi32>
    %roll3A = arith.constant 1 : i32
    %roll3A_6 = tpu.dynamic_rotate %scan3A_4 by %roll3A dim 1 : vector<1x128xf32>, i32 -> vector<1x128xf32>
    %ge3A = arith.constant 1 : i32
    %ge3A_7 = vector.broadcast %ge3A : i32 to vector<1x128xi32>
    %ge3A_8 = arith.cmpi sge, %iota3A, %ge3A_7 : vector<1x128xi32>
    %jit3A = arith.constant 0.000000e+00 : f32
    %broadcast_in_dim3A_9 = vector.broadcast %jit3A : f32 to vector<1x128xf32>
    %select_n3A = arith.select %ge3A_8, %roll3A_6, %broadcast_in_dim3A_9 : vector<1x128xi1>, vector<1x128xf32>
    %add3A = arith.addf %scan3A_4, %select_n3A : vector<1x128xf32>
    %roll3A_10 = arith.constant 2 : i32
    %roll3A_11 = tpu.dynamic_rotate %add3A by %roll3A_10 dim 1 : vector<1x128xf32>, i32 -> vector<1x128xf32>
    %ge3A_12 = arith.constant 2 : i32
    %ge3A_13 = vector.broadcast %ge3A_12 : i32 to vector<1x128xi32>
    %ge3A_14 = arith.cmpi sge, %iota3A, %ge3A_13 : vector<1x128xi32>
    %jit3A_15 = arith.constant 0.000000e+00 : f32
    %broadcast_in_dim3A_16 = vector.broadcast %jit3A_15 : f32 to vector<1x128xf32>
    %select_n3A_17 = arith.select %ge3A_14, %roll3A_11, %broadcast_in_dim3A_16 : vector<1x128xi1>, vector<1x128xf32>
    %add3A_18 = arith.addf %add3A, %select_n3A_17 : vector<1x128xf32>
    %roll3A_19 = arith.constant 4 : i32
    %roll3A_20 = tpu.dynamic_rotate %add3A_18 by %roll3A_19 dim 1 : vector<1x128xf32>, i32 -> vector<1x128xf32>
    %ge3A_21 = arith.constant 4 : i32
    %ge3A_22 = vector.broadcast %ge3A_21 : i32 to vector<1x128xi32>
    %ge3A_23 = arith.cmpi sge, %iota3A, %ge3A_22 : vector<1x128xi32>
    %jit3A_24 = arith.constant 0.000000e+00 : f32
    %broadcast_in_dim3A_25 = vector.broadcast %jit3A_24 : f32 to vector<1x128xf32>
    %select_n3A_26 = arith.select %ge3A_23, %roll3A_20, %broadcast_in_dim3A_25 : vector<1x128xi1>, vector<1x128xf32>
    %add3A_27 = arith.addf %add3A_18, %select_n3A_26 : vector<1x128xf32>
    %roll3A_28 = arith.constant 8 : i32
    %roll3A_29 = tpu.dynamic_rotate %add3A_27 by %roll3A_28 dim 1 : vector<1x128xf32>, i32 -> vector<1x128xf32>
    %ge3A_30 = arith.constant 8 : i32
    %ge3A_31 = vector.broadcast %ge3A_30 : i32 to vector<1x128xi32>
    %ge3A_32 = arith.cmpi sge, %iota3A, %ge3A_31 : vector<1x128xi32>
    %jit3A_33 = arith.constant 0.000000e+00 : f32
    %broadcast_in_dim3A_34 = vector.broadcast %jit3A_33 : f32 to vector<1x128xf32>
    %select_n3A_35 = arith.select %ge3A_32, %roll3A_29, %broadcast_in_dim3A_34 : vector<1x128xi1>, vector<1x128xf32>
    %add3A_36 = arith.addf %add3A_27, %select_n3A_35 : vector<1x128xf32>
    %roll3A_37 = arith.constant 16 : i32
    %roll3A_38 = tpu.dynamic_rotate %add3A_36 by %roll3A_37 dim 1 : vector<1x128xf32>, i32 -> vector<1x128xf32>
    %ge3A_39 = arith.constant 16 : i32
    %ge3A_40 = vector.broadcast %ge3A_39 : i32 to vector<1x128xi32>
    %ge3A_41 = arith.cmpi sge, %iota3A, %ge3A_40 : vector<1x128xi32>
    %jit3A_42 = arith.constant 0.000000e+00 : f32
    %broadcast_in_dim3A_43 = vector.broadcast %jit3A_42 : f32 to vector<1x128xf32>
    %select_n3A_44 = arith.select %ge3A_41, %roll3A_38, %broadcast_in_dim3A_43 : vector<1x128xi1>, vector<1x128xf32>
    %add3A_45 = arith.addf %add3A_36, %select_n3A_44 : vector<1x128xf32>
    %roll3A_46 = arith.constant 32 : i32
    %roll3A_47 = tpu.dynamic_rotate %add3A_45 by %roll3A_46 dim 1 : vector<1x128xf32>, i32 -> vector<1x128xf32>
    %ge3A_48 = arith.constant 32 : i32
    %ge3A_49 = vector.broadcast %ge3A_48 : i32 to vector<1x128xi32>
    %ge3A_50 = arith.cmpi sge, %iota3A, %ge3A_49 : vector<1x128xi32>
    %jit3A_51 = arith.constant 0.000000e+00 : f32
    %broadcast_in_dim3A_52 = vector.broadcast %jit3A_51 : f32 to vector<1x128xf32>
    %select_n3A_53 = arith.select %ge3A_50, %roll3A_47, %broadcast_in_dim3A_52 : vector<1x128xi1>, vector<1x128xf32>
    %add3A_54 = arith.addf %add3A_45, %select_n3A_53 : vector<1x128xf32>
    %roll3A_55 = arith.constant 64 : i32
    %roll3A_56 = tpu.dynamic_rotate %add3A_54 by %roll3A_55 dim 1 : vector<1x128xf32>, i32 -> vector<1x128xf32>
    %ge3A_57 = arith.constant 64 : i32
    %ge3A_58 = vector.broadcast %ge3A_57 : i32 to vector<1x128xi32>
    %ge3A_59 = arith.cmpi sge, %iota3A, %ge3A_58 : vector<1x128xi32>
    %jit3A_60 = arith.constant 0.000000e+00 : f32
    %broadcast_in_dim3A_61 = vector.broadcast %jit3A_60 : f32 to vector<1x128xf32>
    %select_n3A_62 = arith.select %ge3A_59, %roll3A_56, %broadcast_in_dim3A_61 : vector<1x128xi1>, vector<1x128xf32>
    %add3A_63 = arith.addf %add3A_54, %select_n3A_62 : vector<1x128xf32>
    %ge3A_64 = arith.constant 1 : i32
    %ge3A_65 = vector.broadcast %ge3A_64 : i32 to vector<1x128xi32>
    %ge3A_66 = arith.cmpi sge, %iota3A, %ge3A_65 : vector<1x128xi32>
    %roll3A_67 = arith.constant 1 : i32
    %roll3A_68 = tpu.dynamic_rotate %add3A_63 by %roll3A_67 dim 1 : vector<1x128xf32>, i32 -> vector<1x128xf32>
    %jit3A_69 = arith.constant 0.000000e+00 : f32
    %broadcast_in_dim3A_70 = vector.broadcast %jit3A_69 : f32 to vector<1x128xf32>
    %select_n3A_71 = arith.select %ge3A_66, %roll3A_68, %broadcast_in_dim3A_70 : vector<1x128xi1>, vector<1x128xf32>
    %get3A = arith.constant 0 : index
    %get3A_72 = arith.constant 0 : index
    %get3A_73 = arith.constant 0 : index
    %get3A_74 = vector.load %arg2[%get3A, %get3A_72, %get3A_73] : memref<32x1x128xf32, #tpu.memory_space<vmem>>, vector<32x1x128xf32>
    %reshape3A = vector.shape_cast %select_n3A_71 : vector<1x128xf32> to vector<1x1x128xf32>
    %add3A_75 = vector.broadcast %reshape3A : vector<1x1x128xf32> to vector<32x1x128xf32>
    %add3A_76 = arith.addf %get3A_74, %add3A_75 : vector<32x1x128xf32>
    %swap3A = arith.constant 0 : index
    %swap3A_77 = arith.constant 0 : index
    %swap3A_78 = arith.constant 0 : index
    %swap3A_79 = vector.load %arg2[%swap3A, %swap3A_77, %swap3A_78] : memref<32x1x128xf32, #tpu.memory_space<vmem>>, vector<32x1x128xf32>
    tpu.vector_store %arg2[%swap3A, %swap3A_77, %swap3A_78], %add3A_76 {strides = array<i32>} : memref<32x1x128xf32, #tpu.memory_space<vmem>>, vector<32x1x128xf32>,
    %iota3A_80 = tpu.iota {dimensions = array<i32: 0>} : vector<32x1xi32>
    %convert_element_type3A = arith.sitofp %iota3A_80 : vector<32x1xi32> to vector<32x1xf32>
    %mul3A = arith.constant 5.120000e+02 : f32
    %mul3A_81 = vector.broadcast %mul3A : f32 to vector<32x1xf32>
    %mul3A_82 = arith.mulf %mul3A_81, %convert_element_type3A : vector<32x1xf32>
    %add3A_83 = arith.constant 5.120000e+02 : f32
    %add3A_84 = vector.broadcast %add3A_83 : f32 to vector<32x1xf32>
    %add3A_85 = arith.addf %mul3A_82, %add3A_84 : vector<32x1xf32>
    %lt3A = vector.broadcast %select_n3A_71 : vector<1x128xf32> to vector<32x128xf32>
    %lt3A_86 = vector.broadcast %add3A_85 : vector<32x1xf32> to vector<32x128xf32>
    %lt3A_87 = arith.cmpf olt, %lt3A, %lt3A_86 : vector<32x128xf32>
    %add3A_88 = arith.addf %select_n3A_71, %scan3A_4 : vector<1x128xf32>
    %gt3A = vector.broadcast %add3A_88 : vector<1x128xf32> to vector<32x128xf32>
    %gt3A_89 = vector.broadcast %mul3A_82 : vector<32x1xf32> to vector<32x128xf32>
    %gt3A_90 = arith.cmpf ogt, %gt3A, %gt3A_89 : vector<32x128xf32>
    %and3A = arith.andi %lt3A_87, %gt3A_90 : vector<32x128xi1>
    %mul3A_91 = arith.constant 0.001953125 : f32
    %mul3A_92 = vector.broadcast %mul3A_91 : f32 to vector<1x128xf32>
    %mul3A_93 = arith.mulf %select_n3A_71, %mul3A_92 : vector<1x128xf32>
    %floor3A = math.floor %mul3A_93 : vector<1x128xf32>
    %add3A_94 = arith.addf %select_n3A_71, %scan3A_4 : vector<1x128xf32>
    %sub3A = arith.constant 1.000000e+00 : f32
    %sub3A_95 = vector.broadcast %sub3A : f32 to vector<1x128xf32>
    %sub3A_96 = arith.subf %add3A_94, %sub3A_95 : vector<1x128xf32>
    %mul3A_97 = arith.constant 0.001953125 : f32
    %mul3A_98 = vector.broadcast %mul3A_97 : f32 to vector<1x128xf32>
    %mul3A_99 = arith.mulf %sub3A_96, %mul3A_98 : vector<1x128xf32>
    %floor3A_100 = math.floor %mul3A_99 : vector<1x128xf32>
    %jit3A_101 = arith.constant 3.200000e+01 : f32
    %broadcast_in_dim3A_102 = vector.shape_cast %floor3A : vector<1x128xf32> to vector<1x128xf32>
    %broadcast_in_dim3A_103 = vector.broadcast %broadcast_in_dim3A_102 : vector<1x128xf32> to vector<32x128xf32>
    %broadcast_in_dim3A_104 = vector.broadcast %jit3A_101 : f32 to vector<32x128xf32>
    %select_n3A_105 = arith.select %and3A, %broadcast_in_dim3A_103, %broadcast_in_dim3A_104 : vector<32x128xi1>, vector<32x128xf32>
    %reduce_min3A = arith.constant dense<0x7F800000> : vector<32xf32>
    %reduce_min3A_106 = vector.multi_reduction <minimumf>, %select_n3A_105, %reduce_min3A [1] : vector<32x128xf32> to vector<32xf32>
    %broadcast_in_dim3A_107 = vector.shape_cast %reduce_min3A_106 : vector<32xf32> to vector<32x1xf32>
    %jit3A_108 = arith.constant -1.000000e+00 : f32
    %broadcast_in_dim3A_109 = vector.shape_cast %floor3A_100 : vector<1x128xf32> to vector<1x128xf32>
    %broadcast_in_dim3A_110 = vector.broadcast %broadcast_in_dim3A_109 : vector<1x128xf32> to vector<32x128xf32>
    %broadcast_in_dim3A_111 = vector.broadcast %jit3A_108 : f32 to vector<32x128xf32>
    %select_n3A_112 = arith.select %and3A, %broadcast_in_dim3A_110, %broadcast_in_dim3A_111 : vector<32x128xi1>, vector<32x128xf32>
    %reduce_max3A = arith.constant dense<0xFF800000> : vector<32xf32>
    %reduce_max3A_113 = vector.multi_reduction <maximumf>, %select_n3A_112, %reduce_max3A [1] : vector<32x128xf32> to vector<32xf32>
    %broadcast_in_dim3A_114 = vector.shape_cast %reduce_max3A_113 : vector<32xf32> to vector<32x1xf32>
    %convert_element_type3A_115 = arith.fptosi %broadcast_in_dim3A_107 : vector<32x1xf32> to vector<32x1xi32>
    %swap3A_116 = arith.constant 0 : index
    %swap3A_117 = arith.constant 0 : index
    %swap3A_118 = vector.load %arg3[%swap3A_116, %swap3A_117] : memref<32x1xi32, #tpu.memory_space<vmem>>, vector<32x1xi32>
    tpu.vector_store %arg3[%swap3A_116, %swap3A_117], %convert_element_type3A_115 {strides = array<i32>} : memref<32x1xi32, #tpu.memory_space<vmem>>, vector<32x1xi32>,
    %convert_element_type3A_119 = arith.fptosi %broadcast_in_dim3A_114 : vector<32x1xf32> to vector<32x1xi32>
    %swap3A_120 = arith.constant 0 : index
    %swap3A_121 = arith.constant 0 : index
    %swap3A_122 = vector.load %arg4[%swap3A_120, %swap3A_121] : memref<32x1xi32, #tpu.memory_space<vmem>>, vector<32x1xi32>
    tpu.vector_store %arg4[%swap3A_120, %swap3A_121], %convert_element_type3A_119 {strides = array<i32>} : memref<32x1xi32, #tpu.memory_space<vmem>>, vector<32x1xi32>,
    return
  }
  func.func @transform_0(%arg0: i32) -> (i32, i32) {
    %c0_i32 = arith.constant 0 : i32
    %c0_i32_0 = arith.constant 0 : i32
    %c0_i32_1 = arith.constant 0 : i32
    return %c0_i32, %c0_i32_0 : i32, i32
  }
  func.func @transform_1(%arg0: i32) -> (i32, i32, i32) {
    %c0_i32 = arith.constant 0 : i32
    %c0_i32_0 = arith.constant 0 : i32
    %c0_i32_1 = arith.constant 0 : i32
    %c0_i32_2 = arith.constant 0 : i32
    return %c0_i32, %c0_i32_0, %c0_i32_1 : i32, i32, i32
  }
  func.func @transform_2(%arg0: i32) -> (i32, i32) {
    %c0_i32 = arith.constant 0 : i32
    %c0_i32_0 = arith.constant 0 : i32
    %c0_i32_1 = arith.constant 0 : i32
    return %c0_i32, %c0_i32_0 : i32, i32
  }
  func.func @transform_3(%arg0: i32) -> (i32, i32) {
    %c0_i32 = arith.constant 0 : i32
    %c0_i32_0 = arith.constant 0 : i32
    %c0_i32_1 = arith.constant 0 : i32
    return %c0_i32, %c0_i32_0 : i32, i32
  }
}

module attributes {stable_mosaic.version = 14 : i64} {
  func.func @_p3_body(%arg0: i32, %arg1: memref<512x1xi32, #tpu.memory_space<vmem>>, %arg2: memref<512x1xf32, #tpu.memory_space<vmem>>, %arg3: memref<512x128xf32, #tpu.memory_space<vmem>>, %arg4: memref<1x1x128xf32, #tpu.memory_space<vmem>>, %arg5: memref<512x256xf32, #tpu.memory_space<vmem>>, %arg6: memref<512x1xi32, #tpu.memory_space<vmem>>) attributes {dimension_semantics = [#tpu.dimension_semantics<arbitrary>], iteration_bounds = array<i64: 32>, scalar_prefetch = 0 : i64, scratch_operands = 0 : i64, tpu.core_type = #tpu.core_type<tc>, window_params = [{transform_indices = @transform_0, window_bounds = array<i64: 512, 1>}, {transform_indices = @transform_1, window_bounds = array<i64: 512, 1>}, {transform_indices = @transform_2, window_bounds = array<i64: 512, 128>}, {transform_indices = @transform_3, window_bounds = array<i64: 1, 1, 128>}, {transform_indices = @transform_4, window_bounds = array<i64: 512, 256>}, {transform_indices = @transform_5, window_bounds = array<i64: 512, 1>}]} {
    %get3A = arith.constant 0 : index
    %get3A_0 = arith.constant 0 : index
    %get3A_1 = vector.load %arg1[%get3A, %get3A_0] : memref<512x1xi32, #tpu.memory_space<vmem>>, vector<512x1xi32>
    %shift_right_arithmetic3A = arith.constant 10 : i32
    %shift_right_arithmetic3A_2 = vector.broadcast %shift_right_arithmetic3A : i32 to vector<512x1xi32>
    %shift_right_arithmetic3A_3 = arith.shrsi %get3A_1, %shift_right_arithmetic3A_2 : vector<512x1xi32>
    %iota3A = tpu.iota {dimensions = array<i32: 1>} : vector<1x128xi32>
    %eq3A = vector.broadcast %shift_right_arithmetic3A_3 : vector<512x1xi32> to vector<512x128xi32>
    %eq3A_4 = vector.broadcast %iota3A : vector<1x128xi32> to vector<512x128xi32>
    %eq3A_5 = arith.cmpi eq, %eq3A, %eq3A_4 : vector<512x128xi32>
    %jit3A = arith.constant 1.000000e+00 : f32
    %jit3A_6 = arith.constant 0.000000e+00 : f32
    %broadcast_in_dim3A = vector.broadcast %jit3A : f32 to vector<512x128xf32>
    %broadcast_in_dim3A_7 = vector.broadcast %jit3A_6 : f32 to vector<512x128xf32>
    %select_n3A = arith.select %eq3A_5, %broadcast_in_dim3A, %broadcast_in_dim3A_7 : vector<512x128xi1>, vector<512x128xf32>
    %convert_element_type3A = arith.truncf %select_n3A : vector<512x128xf32> to vector<512x128xbf16>
    %iota3A_8 = tpu.iota {dimensions = array<i32: 0>} : vector<512x1xi32>
    %iota3A_9 = tpu.iota {dimensions = array<i32: 1>} : vector<1x512xi32>
    %gt3A = vector.broadcast %iota3A_8 : vector<512x1xi32> to vector<512x512xi32>
    %gt3A_10 = vector.broadcast %iota3A_9 : vector<1x512xi32> to vector<512x512xi32>
    %gt3A_11 = arith.cmpi sgt, %gt3A, %gt3A_10 : vector<512x512xi32>
    %jit3A_12 = arith.constant 1.000000e+00 : f32
    %jit3A_13 = arith.constant 0.000000e+00 : f32
    %broadcast_in_dim3A_14 = vector.broadcast %jit3A_12 : f32 to vector<512x512xf32>
    %broadcast_in_dim3A_15 = vector.broadcast %jit3A_13 : f32 to vector<512x512xf32>
    %select_n3A_16 = arith.select %gt3A_11, %broadcast_in_dim3A_14, %broadcast_in_dim3A_15 : vector<512x512xi1>, vector<512x512xf32>
    %convert_element_type3A_17 = arith.truncf %select_n3A_16 : vector<512x512xf32> to vector<512x512xbf16>
    %dot_general3A = arith.constant dense<0.000000e+00> : vector<512x128xf32>
    %dot_general3A_18 = tpu.matmul %convert_element_type3A_17, %convert_element_type3A, %dot_general3A {dimension_numbers = #tpu.dot_dimension_numbers<[1], [0], [0], [1], [0, 0, 1, 1], [], []>, transpose_lhs_hint = false} : vector<512x512xbf16>, vector<512x128xbf16>, vector<512x128xf32> -> vector<512x128xf32>
    %mul3A = arith.mulf %dot_general3A_18, %select_n3A : vector<512x128xf32>
    %reduce_sum3A = arith.constant dense<0.000000e+00> : vector<512xf32>
    %reduce_sum3A_19 = vector.multi_reduction <add>, %mul3A, %reduce_sum3A [1] : vector<512x128xf32> to vector<512xf32>
    %broadcast_in_dim3A_20 = vector.shape_cast %reduce_sum3A_19 : vector<512xf32> to vector<512x1xf32>
    %get3A_21 = arith.constant 0 : index
    %get3A_22 = arith.constant 0 : index
    %get3A_23 = arith.constant 0 : index
    %get3A_24 = vector.load %arg4[%get3A_21, %get3A_22, %get3A_23] : memref<1x1x128xf32, #tpu.memory_space<vmem>>, vector<1x1x128xf32>
    %reshape3A = vector.shape_cast %get3A_24 : vector<1x1x128xf32> to vector<1x128xf32>
    %mul3A_25 = vector.broadcast %reshape3A : vector<1x128xf32> to vector<512x128xf32>
    %mul3A_26 = arith.mulf %mul3A_25, %select_n3A : vector<512x128xf32>
    %reduce_sum3A_27 = arith.constant dense<0.000000e+00> : vector<512xf32>
    %reduce_sum3A_28 = vector.multi_reduction <add>, %mul3A_26, %reduce_sum3A_27 [1] : vector<512x128xf32> to vector<512xf32>
    %broadcast_in_dim3A_29 = vector.shape_cast %reduce_sum3A_28 : vector<512xf32> to vector<512x1xf32>
    %add3A = arith.addf %broadcast_in_dim3A_29, %broadcast_in_dim3A_20 : vector<512x1xf32>
    %convert_element_type3A_30 = arith.fptosi %add3A : vector<512x1xf32> to vector<512x1xi32>
    %swap3A = arith.constant 0 : index
    %swap3A_31 = arith.constant 0 : index
    %swap3A_32 = vector.load %arg6[%swap3A, %swap3A_31] : memref<512x1xi32, #tpu.memory_space<vmem>>, vector<512x1xi32>
    tpu.vector_store %arg6[%swap3A, %swap3A_31], %convert_element_type3A_30 {strides = array<i32>} : memref<512x1xi32, #tpu.memory_space<vmem>>, vector<512x1xi32>,
    %broadcast_in_dim3A_33 = arith.constant 0.000000e+00 : f32
    %broadcast_in_dim3A_34 = vector.broadcast %broadcast_in_dim3A_33 : f32 to vector<512x126xf32>
    %get3A_35 = arith.constant 0 : index
    %get3A_36 = arith.constant 0 : index
    %get3A_37 = vector.load %arg3[%get3A_35, %get3A_36] : memref<512x128xf32, #tpu.memory_space<vmem>>, vector<512x128xf32>
    %convert_element_type3A_38 = arith.sitofp %get3A_1 : vector<512x1xi32> to vector<512x1xf32>
    %get3A_39 = arith.constant 0 : index
    %get3A_40 = arith.constant 0 : index
    %get3A_41 = vector.load %arg2[%get3A_39, %get3A_40] : memref<512x1xf32, #tpu.memory_space<vmem>>, vector<512x1xf32>
    %concatenate3A = tpu.concatenate %get3A_37, %convert_element_type3A_38, %get3A_41, %broadcast_in_dim3A_34 in 1 : vector<512x128xf32>, vector<512x1xf32>, vector<512x1xf32>, vector<512x126xf32> -> vector<512x256xf32>
    %swap3A_42 = arith.constant 0 : index
    %swap3A_43 = arith.constant 0 : index
    %swap3A_44 = vector.load %arg5[%swap3A_42, %swap3A_43] : memref<512x256xf32, #tpu.memory_space<vmem>>, vector<512x256xf32>
    tpu.vector_store %arg5[%swap3A_42, %swap3A_43], %concatenate3A {strides = array<i32>} : memref<512x256xf32, #tpu.memory_space<vmem>>, vector<512x256xf32>,
    return
  }
  func.func @transform_0(%arg0: i32) -> (i32, i32) {
    %c0_i32 = arith.constant 0 : i32
    %c0_i32_0 = arith.constant 0 : i32
    return %arg0, %c0_i32 : i32, i32
  }
  func.func @transform_1(%arg0: i32) -> (i32, i32) {
    %c0_i32 = arith.constant 0 : i32
    %c0_i32_0 = arith.constant 0 : i32
    return %arg0, %c0_i32 : i32, i32
  }
  func.func @transform_2(%arg0: i32) -> (i32, i32) {
    %c0_i32 = arith.constant 0 : i32
    %c0_i32_0 = arith.constant 0 : i32
    return %arg0, %c0_i32 : i32, i32
  }
  func.func @transform_3(%arg0: i32) -> (i32, i32, i32) {
    %c0_i32 = arith.constant 0 : i32
    %c0_i32_0 = arith.constant 0 : i32
    %c0_i32_1 = arith.constant 0 : i32
    return %arg0, %c0_i32, %c0_i32_0 : i32, i32, i32
  }
  func.func @transform_4(%arg0: i32) -> (i32, i32) {
    %c0_i32 = arith.constant 0 : i32
    %c0_i32_0 = arith.constant 0 : i32
    return %arg0, %c0_i32 : i32, i32
  }
  func.func @transform_5(%arg0: i32) -> (i32, i32) {
    %c0_i32 = arith.constant 0 : i32
    %c0_i32_0 = arith.constant 0 : i32
    return %arg0, %c0_i32 : i32, i32
  }
}

module attributes {stable_mosaic.version = 14 : i64} {
  func.func @_combine_body(%arg0: i32, %arg1: memref<32xi32, #tpu.memory_space<smem>>, %arg2: memref<32xi32, #tpu.memory_space<smem>>, %arg3: memref<16384x256xf32, #tpu.memory_space<vmem>>, %arg4: memref<16384x128xf32, #tpu.memory_space<vmem>>, %arg5: memref<512x128xf32, #tpu.memory_space<vmem>>, %arg6: memref<512x256xf32, #tpu.memory_space<vmem>>) attributes {dimension_semantics = [#tpu.dimension_semantics<arbitrary>], iteration_bounds = array<i64: 32>, scalar_prefetch = 2 : i64, scratch_operands = 1 : i64, tpu.core_type = #tpu.core_type<tc>, window_params = [{pipeline_mode = #tpu.pipeline_mode<synchronous>, transform_indices = @transform_0, window_bounds = array<i64: 16384, 256>}, {pipeline_mode = #tpu.pipeline_mode<synchronous>, transform_indices = @transform_1, window_bounds = array<i64: 16384, 128>}, {transform_indices = @transform_2, window_bounds = array<i64: 512, 128>}]} {
    %mul3A = arith.constant 512 : i32
    %mul3A_0 = arith.muli %arg0, %mul3A : i32
    %get3A = arith.index_cast %mul3A_0 : i32 to index
    %get3A_1 = arith.constant 0 : index
    %get3A_2 = vector.load %arg3[%get3A, %get3A_1] : memref<16384x256xf32, #tpu.memory_space<vmem>>, vector<512x256xf32>
    %slice3A = vector.extract_strided_slice %get3A_2 {offsets = [0, 128], sizes = [512, 1], strides = [1, 1]} : vector<512x256xf32> to vector<512x1xf32>
    %convert_element_type3A = arith.fptosi %slice3A : vector<512x1xf32> to vector<512x1xi32>
    %iota3A = tpu.iota {dimensions = array<i32: 1>} : vector<1x17xi32>
    %shift_right_arithmetic3A = vector.broadcast %convert_element_type3A : vector<512x1xi32> to vector<512x17xi32>
    %shift_right_arithmetic3A_3 = vector.broadcast %iota3A : vector<1x17xi32> to vector<512x17xi32>
    %shift_right_arithmetic3A_4 = arith.shrsi %shift_right_arithmetic3A, %shift_right_arithmetic3A_3 : vector<512x17xi32>
    %and3A = arith.constant 1 : i32
    %and3A_5 = vector.broadcast %and3A : i32 to vector<512x17xi32>
    %and3A_6 = arith.andi %shift_right_arithmetic3A_4, %and3A_5 : vector<512x17xi32>
    %eq3A = arith.constant 1 : i32
    %eq3A_7 = vector.broadcast %eq3A : i32 to vector<512x17xi32>
    %eq3A_8 = arith.cmpi eq, %and3A_6, %eq3A_7 : vector<512x17xi32>
    %jit3A = arith.constant 1.000000e+00 : f32
    %jit3A_9 = arith.constant 0.000000e+00 : f32
    %broadcast_in_dim3A = vector.broadcast %jit3A : f32 to vector<512x17xf32>
    %broadcast_in_dim3A_10 = vector.broadcast %jit3A_9 : f32 to vector<512x17xf32>
    %select_n3A = arith.select %eq3A_8, %broadcast_in_dim3A, %broadcast_in_dim3A_10 : vector<512x17xi1>, vector<512x17xf32>
    %reduce_sum3A = arith.constant dense<0.000000e+00> : vector<512xf32>
    %reduce_sum3A_11 = vector.multi_reduction <add>, %select_n3A, %reduce_sum3A [1] : vector<512x17xf32> to vector<512xf32>
    %broadcast_in_dim3A_12 = vector.shape_cast %reduce_sum3A_11 : vector<512xf32> to vector<512x1xf32>
    %mul3A_13 = arith.constant 2.000000e+00 : f32
    %mul3A_14 = vector.broadcast %mul3A_13 : f32 to vector<512x17xf32>
    %mul3A_15 = arith.mulf %mul3A_14, %select_n3A : vector<512x17xf32>
    %broadcast_in_dim3A_16 = arith.constant 1.000000e+00 : f32
    %broadcast_in_dim3A_17 = vector.broadcast %broadcast_in_dim3A_16 : f32 to vector<512x1xf32>
    %concatenate3A = tpu.concatenate %mul3A_15, %broadcast_in_dim3A_17 in 1 : vector<512x17xf32>, vector<512x1xf32> -> vector<512x18xf32>
    %convert_element_type3A_18 = arith.truncf %concatenate3A : vector<512x18xf32> to vector<512x18xbf16>
    %broadcast_in_dim3A_19 = arith.constant 0.000000e+00 : f32
    %broadcast_in_dim3A_20 = vector.broadcast %broadcast_in_dim3A_19 : f32 to vector<512x256xf32>
    %swap3A = arith.constant 0 : index
    %swap3A_21 = arith.constant 0 : index
    %swap3A_22 = vector.load %arg6[%swap3A, %swap3A_21] : memref<512x256xf32, #tpu.memory_space<vmem>>, vector<512x256xf32>
    tpu.vector_store %arg6[%swap3A, %swap3A_21], %broadcast_in_dim3A_20 {strides = array<i32>} : memref<512x256xf32, #tpu.memory_space<vmem>>, vector<512x256xf32>,
    %get3A_23 = arith.index_cast %arg0 : i32 to index
    %get3A_24 = memref.load %arg1[%get3A_23] : memref<32xi32, #tpu.memory_space<smem>>
    %get3A_25 = arith.index_cast %arg0 : i32 to index
    %get3A_26 = memref.load %arg2[%get3A_25] : memref<32xi32, #tpu.memory_space<smem>>
    %add3A = arith.constant 1 : i32
    %add3A_27 = arith.addi %get3A_26, %add3A : i32
    %while3A = arith.constant 0 : i32
    %while3A_28 = arith.subi %add3A_27, %get3A_24 : i32
    %while3A_29 = arith.addi %get3A_24, %while3A_28 : i32
    %while3A_30 = arith.constant 1 : i32
    %while3A_31 = arith.divsi %while3A_28, %while3A_30 : i32
    %while3A_32 = arith.muli %while3A_31, %while3A_30 : i32
    %while3A_33 = arith.addi %get3A_24, %while3A_32 : i32
    %while3A_34 = arith.constant 1 : i32
    %while3A_35 = scf.for %while3A_53 = %get3A_24 to %while3A_33 step %while3A_34 iter_args(%while3A_54 = %while3A) -> (i32)  : i32 {
      %mul3A_55 = arith.constant 512 : i32
      %mul3A_56 = arith.muli %while3A_53, %mul3A_55 : i32
      %get3A_57 = arith.index_cast %mul3A_56 : i32 to index
      %get3A_58 = arith.constant 0 : index
      %get3A_59 = vector.load %arg3[%get3A_57, %get3A_58] : memref<16384x256xf32, #tpu.memory_space<vmem>>, vector<512x256xf32>
      %slice3A_60 = vector.extract_strided_slice %get3A_59 {offsets = [0, 128], sizes = [512, 1], strides = [1, 1]} : vector<512x256xf32> to vector<512x1xf32>
      %convert_element_type3A_61 = arith.fptosi %slice3A_60 : vector<512x1xf32> to vector<512x1xi32>
      %iota3A_62 = tpu.iota {dimensions = array<i32: 1>} : vector<1x17xi32>
      %shift_right_arithmetic3A_63 = vector.broadcast %convert_element_type3A_61 : vector<512x1xi32> to vector<512x17xi32>
      %shift_right_arithmetic3A_64 = vector.broadcast %iota3A_62 : vector<1x17xi32> to vector<512x17xi32>
      %shift_right_arithmetic3A_65 = arith.shrsi %shift_right_arithmetic3A_63, %shift_right_arithmetic3A_64 : vector<512x17xi32>
      %and3A_66 = arith.constant 1 : i32
      %and3A_67 = vector.broadcast %and3A_66 : i32 to vector<512x17xi32>
      %and3A_68 = arith.andi %shift_right_arithmetic3A_65, %and3A_67 : vector<512x17xi32>
      %eq3A_69 = arith.constant 1 : i32
      %eq3A_70 = vector.broadcast %eq3A_69 : i32 to vector<512x17xi32>
      %eq3A_71 = arith.cmpi eq, %and3A_68, %eq3A_70 : vector<512x17xi32>
      %jit3A_72 = arith.constant 1.000000e+00 : f32
      %jit3A_73 = arith.constant 0.000000e+00 : f32
      %broadcast_in_dim3A_74 = vector.broadcast %jit3A_72 : f32 to vector<512x17xf32>
      %broadcast_in_dim3A_75 = vector.broadcast %jit3A_73 : f32 to vector<512x17xf32>
      %select_n3A_76 = arith.select %eq3A_71, %broadcast_in_dim3A_74, %broadcast_in_dim3A_75 : vector<512x17xi1>, vector<512x17xf32>
      %reduce_sum3A_77 = arith.constant dense<0.000000e+00> : vector<512xf32>
      %reduce_sum3A_78 = vector.multi_reduction <add>, %select_n3A_76, %reduce_sum3A_77 [1] : vector<512x17xf32> to vector<512xf32>
      %broadcast_in_dim3A_79 = vector.shape_cast %reduce_sum3A_78 : vector<512xf32> to vector<512x1xf32>
      %neg3A = arith.constant 0.000000e+00 : f32
      %neg3A_80 = vector.broadcast %neg3A : f32 to vector<512x1xf32>
      %neg3A_81 = arith.subf %neg3A_80, %broadcast_in_dim3A_79 : vector<512x1xf32>
      %concatenate3A_82 = tpu.concatenate %select_n3A_76, %neg3A_81 in 1 : vector<512x17xf32>, vector<512x1xf32> -> vector<512x18xf32>
      %convert_element_type3A_83 = arith.truncf %concatenate3A_82 : vector<512x18xf32> to vector<512x18xbf16>
      %dot_general3A = arith.constant dense<0.000000e+00> : vector<512x512xf32>
      %dot_general3A_84 = tpu.matmul %convert_element_type3A_18, %convert_element_type3A_83, %dot_general3A {dimension_numbers = #tpu.dot_dimension_numbers<[1], [1], [0], [0], [0, 0, 1, 0], [], []>, transpose_lhs_hint = false} : vector<512x18xbf16>, vector<512x18xbf16>, vector<512x512xf32> -> vector<512x512xf32>
      %sub3A = vector.broadcast %broadcast_in_dim3A_12 : vector<512x1xf32> to vector<512x512xf32>
      %sub3A_85 = arith.subf %dot_general3A_84, %sub3A : vector<512x512xf32>
      %add3A_86 = arith.constant 1.000000e+00 : f32
      %add3A_87 = vector.broadcast %add3A_86 : f32 to vector<512x512xf32>
      %add3A_88 = arith.addf %sub3A_85, %add3A_87 : vector<512x512xf32>
      %max3A = arith.constant 0.000000e+00 : f32
      %max3A_89 = vector.broadcast %max3A : f32 to vector<512x512xf32>
      %max3A_90 = arith.maximumf %add3A_88, %max3A_89 : vector<512x512xf32>
      %convert_element_type3A_91 = arith.truncf %max3A_90 : vector<512x512xf32> to vector<512x512xbf16>
      %slice3A_92 = vector.extract_strided_slice %get3A_59 {offsets = [0, 129], sizes = [512, 1], strides = [1, 1]} : vector<512x256xf32> to vector<512x1xf32>
      %slice3A_93 = vector.extract_strided_slice %get3A_59 {offsets = [0, 0], sizes = [512, 128], strides = [1, 1]} : vector<512x256xf32> to vector<512x128xf32>
      %mul3A_94 = arith.constant 512 : i32
      %mul3A_95 = arith.muli %while3A_53, %mul3A_94 : i32
      %get3A_96 = arith.index_cast %mul3A_95 : i32 to index
      %get3A_97 = arith.constant 0 : index
      %get3A_98 = vector.load %arg4[%get3A_96, %get3A_97] : memref<16384x128xf32, #tpu.memory_space<vmem>>, vector<512x128xf32>
      %sub3A_99 = arith.subf %slice3A_93, %get3A_98 : vector<512x128xf32>
      %mul3A_100 = vector.broadcast %slice3A_92 : vector<512x1xf32> to vector<512x128xf32>
      %mul3A_101 = arith.mulf %mul3A_100, %sub3A_99 : vector<512x128xf32>
      %convert_element_type3A_102 = arith.truncf %mul3A_101 : vector<512x128xf32> to vector<512x128xbf16>
      %convert_element_type3A_103 = arith.extf %convert_element_type3A_102 : vector<512x128xbf16> to vector<512x128xf32>
      %sub3A_104 = arith.subf %mul3A_101, %convert_element_type3A_103 : vector<512x128xf32>
      %convert_element_type3A_105 = arith.truncf %sub3A_104 : vector<512x128xf32> to vector<512x128xbf16>
      %concatenate3A_106 = tpu.concatenate %convert_element_type3A_102, %convert_element_type3A_105 in 1 : vector<512x128xbf16>, vector<512x128xbf16> -> vector<512x256xbf16>
      %get3A_107 = arith.constant 0 : index
      %get3A_108 = arith.constant 0 : index
      %get3A_109 = vector.load %arg6[%get3A_107, %get3A_108] : memref<512x256xf32, #tpu.memory_space<vmem>>, vector<512x256xf32>
      %dot_general3A_110 = arith.constant dense<0.000000e+00> : vector<512x256xf32>
      %dot_general3A_111 = tpu.matmul %convert_element_type3A_91, %concatenate3A_106, %dot_general3A_110 {dimension_numbers = #tpu.dot_dimension_numbers<[1], [0], [0], [1], [0, 0, 1, 1], [], []>, transpose_lhs_hint = false} : vector<512x512xbf16>, vector<512x256xbf16>, vector<512x256xf32> -> vector<512x256xf32>
      %add3A_112 = arith.addf %get3A_109, %dot_general3A_111 : vector<512x256xf32>
      %swap3A_113 = arith.constant 0 : index
      %swap3A_114 = arith.constant 0 : index
      %swap3A_115 = vector.load %arg6[%swap3A_113, %swap3A_114] : memref<512x256xf32, #tpu.memory_space<vmem>>, vector<512x256xf32>
      tpu.vector_store %arg6[%swap3A_113, %swap3A_114], %add3A_112 {strides = array<i32>} : memref<512x256xf32, #tpu.memory_space<vmem>>, vector<512x256xf32>,
      %while3A_116 = arith.constant 0 : i32
      scf.yield %while3A_116 : i32
    }
    %while3A_36 = arith.constant 1 : i32
    %while3A_37 = scf.for %while3A_53 = %while3A_33 to %while3A_29 step %while3A_36 iter_args(%while3A_54 = %while3A_35) -> (i32)  : i32 {
      %mul3A_55 = arith.constant 512 : i32
      %mul3A_56 = arith.muli %while3A_53, %mul3A_55 : i32
      %get3A_57 = arith.index_cast %mul3A_56 : i32 to index
      %get3A_58 = arith.constant 0 : index
      %get3A_59 = vector.load %arg3[%get3A_57, %get3A_58] : memref<16384x256xf32, #tpu.memory_space<vmem>>, vector<512x256xf32>
      %slice3A_60 = vector.extract_strided_slice %get3A_59 {offsets = [0, 128], sizes = [512, 1], strides = [1, 1]} : vector<512x256xf32> to vector<512x1xf32>
      %convert_element_type3A_61 = arith.fptosi %slice3A_60 : vector<512x1xf32> to vector<512x1xi32>
      %iota3A_62 = tpu.iota {dimensions = array<i32: 1>} : vector<1x17xi32>
      %shift_right_arithmetic3A_63 = vector.broadcast %convert_element_type3A_61 : vector<512x1xi32> to vector<512x17xi32>
      %shift_right_arithmetic3A_64 = vector.broadcast %iota3A_62 : vector<1x17xi32> to vector<512x17xi32>
      %shift_right_arithmetic3A_65 = arith.shrsi %shift_right_arithmetic3A_63, %shift_right_arithmetic3A_64 : vector<512x17xi32>
      %and3A_66 = arith.constant 1 : i32
      %and3A_67 = vector.broadcast %and3A_66 : i32 to vector<512x17xi32>
      %and3A_68 = arith.andi %shift_right_arithmetic3A_65, %and3A_67 : vector<512x17xi32>
      %eq3A_69 = arith.constant 1 : i32
      %eq3A_70 = vector.broadcast %eq3A_69 : i32 to vector<512x17xi32>
      %eq3A_71 = arith.cmpi eq, %and3A_68, %eq3A_70 : vector<512x17xi32>
      %jit3A_72 = arith.constant 1.000000e+00 : f32
      %jit3A_73 = arith.constant 0.000000e+00 : f32
      %broadcast_in_dim3A_74 = vector.broadcast %jit3A_72 : f32 to vector<512x17xf32>
      %broadcast_in_dim3A_75 = vector.broadcast %jit3A_73 : f32 to vector<512x17xf32>
      %select_n3A_76 = arith.select %eq3A_71, %broadcast_in_dim3A_74, %broadcast_in_dim3A_75 : vector<512x17xi1>, vector<512x17xf32>
      %reduce_sum3A_77 = arith.constant dense<0.000000e+00> : vector<512xf32>
      %reduce_sum3A_78 = vector.multi_reduction <add>, %select_n3A_76, %reduce_sum3A_77 [1] : vector<512x17xf32> to vector<512xf32>
      %broadcast_in_dim3A_79 = vector.shape_cast %reduce_sum3A_78 : vector<512xf32> to vector<512x1xf32>
      %neg3A = arith.constant 0.000000e+00 : f32
      %neg3A_80 = vector.broadcast %neg3A : f32 to vector<512x1xf32>
      %neg3A_81 = arith.subf %neg3A_80, %broadcast_in_dim3A_79 : vector<512x1xf32>
      %concatenate3A_82 = tpu.concatenate %select_n3A_76, %neg3A_81 in 1 : vector<512x17xf32>, vector<512x1xf32> -> vector<512x18xf32>
      %convert_element_type3A_83 = arith.truncf %concatenate3A_82 : vector<512x18xf32> to vector<512x18xbf16>
      %dot_general3A = arith.constant dense<0.000000e+00> : vector<512x512xf32>
      %dot_general3A_84 = tpu.matmul %convert_element_type3A_18, %convert_element_type3A_83, %dot_general3A {dimension_numbers = #tpu.dot_dimension_numbers<[1], [1], [0], [0], [0, 0, 1, 0], [], []>, transpose_lhs_hint = false} : vector<512x18xbf16>, vector<512x18xbf16>, vector<512x512xf32> -> vector<512x512xf32>
      %sub3A = vector.broadcast %broadcast_in_dim3A_12 : vector<512x1xf32> to vector<512x512xf32>
      %sub3A_85 = arith.subf %dot_general3A_84, %sub3A : vector<512x512xf32>
      %add3A_86 = arith.constant 1.000000e+00 : f32
      %add3A_87 = vector.broadcast %add3A_86 : f32 to vector<512x512xf32>
      %add3A_88 = arith.addf %sub3A_85, %add3A_87 : vector<512x512xf32>
      %max3A = arith.constant 0.000000e+00 : f32
      %max3A_89 = vector.broadcast %max3A : f32 to vector<512x512xf32>
      %max3A_90 = arith.maximumf %add3A_88, %max3A_89 : vector<512x512xf32>
      %convert_element_type3A_91 = arith.truncf %max3A_90 : vector<512x512xf32> to vector<512x512xbf16>
      %slice3A_92 = vector.extract_strided_slice %get3A_59 {offsets = [0, 129], sizes = [512, 1], strides = [1, 1]} : vector<512x256xf32> to vector<512x1xf32>
      %slice3A_93 = vector.extract_strided_slice %get3A_59 {offsets = [0, 0], sizes = [512, 128], strides = [1, 1]} : vector<512x256xf32> to vector<512x128xf32>
      %mul3A_94 = arith.constant 512 : i32
      %mul3A_95 = arith.muli %while3A_53, %mul3A_94 : i32
      %get3A_96 = arith.index_cast %mul3A_95 : i32 to index
      %get3A_97 = arith.constant 0 : index
      %get3A_98 = vector.load %arg4[%get3A_96, %get3A_97] : memref<16384x128xf32, #tpu.memory_space<vmem>>, vector<512x128xf32>
      %sub3A_99 = arith.subf %slice3A_93, %get3A_98 : vector<512x128xf32>
      %mul3A_100 = vector.broadcast %slice3A_92 : vector<512x1xf32> to vector<512x128xf32>
      %mul3A_101 = arith.mulf %mul3A_100, %sub3A_99 : vector<512x128xf32>
      %convert_element_type3A_102 = arith.truncf %mul3A_101 : vector<512x128xf32> to vector<512x128xbf16>
      %convert_element_type3A_103 = arith.extf %convert_element_type3A_102 : vector<512x128xbf16> to vector<512x128xf32>
      %sub3A_104 = arith.subf %mul3A_101, %convert_element_type3A_103 : vector<512x128xf32>
      %convert_element_type3A_105 = arith.truncf %sub3A_104 : vector<512x128xf32> to vector<512x128xbf16>
      %concatenate3A_106 = tpu.concatenate %convert_element_type3A_102, %convert_element_type3A_105 in 1 : vector<512x128xbf16>, vector<512x128xbf16> -> vector<512x256xbf16>
      %get3A_107 = arith.constant 0 : index
      %get3A_108 = arith.constant 0 : index
      %get3A_109 = vector.load %arg6[%get3A_107, %get3A_108] : memref<512x256xf32, #tpu.memory_space<vmem>>, vector<512x256xf32>
      %dot_general3A_110 = arith.constant dense<0.000000e+00> : vector<512x256xf32>
      %dot_general3A_111 = tpu.matmul %convert_element_type3A_91, %concatenate3A_106, %dot_general3A_110 {dimension_numbers = #tpu.dot_dimension_numbers<[1], [0], [0], [1], [0, 0, 1, 1], [], []>, transpose_lhs_hint = false} : vector<512x512xbf16>, vector<512x256xbf16>, vector<512x256xf32> -> vector<512x256xf32>
      %add3A_112 = arith.addf %get3A_109, %dot_general3A_111 : vector<512x256xf32>
      %swap3A_113 = arith.constant 0 : index
      %swap3A_114 = arith.constant 0 : index
      %swap3A_115 = vector.load %arg6[%swap3A_113, %swap3A_114] : memref<512x256xf32, #tpu.memory_space<vmem>>, vector<512x256xf32>
      tpu.vector_store %arg6[%swap3A_113, %swap3A_114], %add3A_112 {strides = array<i32>} : memref<512x256xf32, #tpu.memory_space<vmem>>, vector<512x256xf32>,
      %while3A_116 = arith.constant 0 : i32
      scf.yield %while3A_116 : i32
    }
    %get3A_38 = arith.constant 0 : index
    %get3A_39 = arith.constant 0 : index
    %get3A_40 = vector.load %arg6[%get3A_38, %get3A_39] : memref<512x256xf32, #tpu.memory_space<vmem>>, vector<512x256xf32>
    %mul3A_41 = arith.constant 512 : i32
    %mul3A_42 = arith.muli %arg0, %mul3A_41 : i32
    %get3A_43 = arith.index_cast %mul3A_42 : i32 to index
    %get3A_44 = arith.constant 0 : index
    %get3A_45 = vector.load %arg4[%get3A_43, %get3A_44] : memref<16384x128xf32, #tpu.memory_space<vmem>>, vector<512x128xf32>
    %slice3A_46 = vector.extract_strided_slice %get3A_40 {offsets = [0, 0], sizes = [512, 128], strides = [1, 1]} : vector<512x256xf32> to vector<512x128xf32>
    %add3A_47 = arith.addf %get3A_45, %slice3A_46 : vector<512x128xf32>
    %slice3A_48 = vector.extract_strided_slice %get3A_40 {offsets = [0, 128], sizes = [512, 128], strides = [1, 1]} : vector<512x256xf32> to vector<512x128xf32>
    %add3A_49 = arith.addf %add3A_47, %slice3A_48 : vector<512x128xf32>
    %swap3A_50 = arith.constant 0 : index
    %swap3A_51 = arith.constant 0 : index
    %swap3A_52 = vector.load %arg5[%swap3A_50, %swap3A_51] : memref<512x128xf32, #tpu.memory_space<vmem>>, vector<512x128xf32>
    tpu.vector_store %arg5[%swap3A_50, %swap3A_51], %add3A_49 {strides = array<i32>} : memref<512x128xf32, #tpu.memory_space<vmem>>, vector<512x128xf32>,
    return
  }
  func.func @transform_0(%arg0: i32, %arg1: memref<32xi32, #tpu.memory_space<smem>>, %arg2: memref<32xi32, #tpu.memory_space<smem>>) -> (i32, i32) {
    %c0_i32 = arith.constant 0 : i32
    %c0_i32_0 = arith.constant 0 : i32
    %c0_i32_1 = arith.constant 0 : i32
    return %c0_i32, %c0_i32_0 : i32, i32
  }
  func.func @transform_1(%arg0: i32, %arg1: memref<32xi32, #tpu.memory_space<smem>>, %arg2: memref<32xi32, #tpu.memory_space<smem>>) -> (i32, i32) {
    %c0_i32 = arith.constant 0 : i32
    %c0_i32_0 = arith.constant 0 : i32
    %c0_i32_1 = arith.constant 0 : i32
    return %c0_i32, %c0_i32_0 : i32, i32
  }
  func.func @transform_2(%arg0: i32, %arg1: memref<32xi32, #tpu.memory_space<smem>>, %arg2: memref<32xi32, #tpu.memory_space<smem>>) -> (i32, i32) {
    %c0_i32 = arith.constant 0 : i32
    %c0_i32_0 = arith.constant 0 : i32
    return %arg0, %c0_i32 : i32, i32
  }
}

</mosaic_0001>

<sc_bundles>
// kernel: kernel.11.cloned.1.call-start
scs
__scs_entry_jumppad:
0x0: {  	(pc) =	sbr.rel $0x88, $3  }
0x1: {  	(tag) =	ssettag $0x0;
	lr =	simm.s32 $0x1  }
0x2: {  	[smem:$0x3F94] =	sst lr;
	_ =	strace $0xD0000000  }
0x3: {  	_ = 	snop  }
0x4: {  	_ = 	snop  }
0x5: {  	_ = 	snop  }
0x6: {  	_ = 	snop  }
0x7: {  	_ = 	snop  }
__scs_overlays_trampoline_lowered:
0x8: {  	[smem:$0x3FA3] =	sst s0  }
0x9: {  	[smem:$0x3FA4] =	sst s1  }
0xa: {  	[smem:$0x3FA5] =	sst s2  }
0xb: {  	[smem:$0x3FA6] =	sst s3  }
0xc: {  	[smem:$0x3FA7] =	sst s4  }
0xd: {  	[smem:$0x3FA8] =	sst s5  }
0xe: {  	[smem:$0x3FA9] =	sst s6  }
0xf: {  	[smem:$0x3FAA] =	sst s7  }
0x10: {  	[smem:$0x3FAB] =	sst s8  }
0x11: {  	[smem:$0x3FAC] =	sst s9;
	s0 =	simm.s32 @!p0 $0x0  }
0x12: {  	s1 =	sld [smem:$0x3F92];
	s0 =	simm.s32 @p0 $0x1  }
0x13: {  	[smem:$0x3FAD] =	sst s0;
	s0 =	simm.s32 @!p1 $0x0  }
0x14: {  	s2 =	sld [smem:$0x3F91];
	s0 =	simm.s32 @p1 $0x1  }
0x15: {  	[smem:$0x3FAE] =	sst s0;
	s0 =	simm.s32 @!p2 $0x0  }
0x16: {  	s3 =	sld [smem:$0x3FDB];
	s0 =	simm.s32 @p2 $0x1  }
0x17: {  	s4 =	simm.s32 $0x1BF5;
	[smem:$0x3FB0] =	sst s0  }
0x18: {  	s0 =	sld [smem:$0x3F93];
	_ =	swait.ge [sflag:s4], $0x0  }
0x19: {  	s7 =	sld [smem:$0x3F94]  }
0x1a: {  	s8 =	sadd.s32 $0xFFFFE003, lr  }
0x1b: {  	s9 =	sadd.s32 $0xFFFFFEF7, lr;
	s5 =	simm.s32 $0xFFFFFFFF;
	p2 =	slt.u32 s8, $0xFFFFF086  }
0x1c: {  	p1 =	slt.u32 s9, $0xF7A;
	s5 =	simm.s32 @!p2 $0x0  }
0x1d: {  	s5 =	simm.s32 @p1 $0x1;
	p0 =	seq.s32 s7, s2  }
0x1e: {  	s7 =	smul.u32 @!p0 $0xF7A, s2;
	p2 =	seq.s32 @!p0 s5, $0x0  }
0x1f: {  	s9 =	smul.u32 $0xF7A, s1;
	s8 =	simm.s32 @!p0 $0x1BF5;
	p2 =	por !p2, p0  }
0x20: {  	[sflag:s8] =	ssyncset.s32 @!p0 $0xFFFFF086;
	s6 =	sadd.s32 @!p0 s3, s7;
	s7 =	simm.s32 @!p0 $0x108  }
0x21: {  	s3 =	sadd.s32 s3, s9;
	s6 =	sadd.s32 @!p0 $0x88, s6;
	s7 =	simm.s32 @p2 $0x1082  }
0x22: {  	[simem:s7], [sflag:s8] =	dma.local @!p0 [hbm:s6], $0xF7A  }
0x23: {  	s9 =	sor.u32 $0xD0000000, s2;
	s6 =	simm.s32 $0x108;
	_ =	swait.ge @!p0 [sflag:s8], $0x0  }
0x24: {  	s3 =	sadd.s32 $0x88, s3;
	s6 =	simm.s32 @!p1 $0x1082;
	[sflag:s4] =	ssyncset.s32 $0xFFFFF086  }
0x25: {  	[simem:s6], [sflag:s4] =	dma.local [hbm:s3], $0xF7A  }
0x26: {  	[smem:$0x3F94] =	sst s1;
	(tag) =	ssettag s2;
	_ =	strace s9  }
0x27: {  	s1 =	sld [smem:$0x3FA4]  }
0x28: {  	s2 =	sld [smem:$0x3FA5]  }
0x29: {  	s4 =	sld [smem:$0x3FA7]  }
0x2a: {  	p0 =	seq.s32 s5, $0x0;
	s5 =	sld [smem:$0x3FA8]  }
0x2b: {  	s6 =	sld [smem:$0x3FA9]  }
0x2c: {  	s7 =	sld [smem:$0x3FAA]  }
0x2d: {  	s3 =	simm.s32 $0x108;
	s8 =	sld [smem:$0x3FAB]  }
0x2e: {  	s3 =	simm.s32 @!p0 $0x1082;
	s9 =	sld [smem:$0x3FAC]  }
0x2f: {  	lr =	sadd.s32 s0, s3;
	s0 =	sld [smem:$0x3FA3]  }
0x30: {  	s3 =	sld [smem:$0x3FA6]  }
0x31: {  	[smem:$0x3FAF] =	sst s10  }
0x32: {  	s10 =	sld [smem:$0x3FAD];
	_ =	sdelay $0x3  }
0x33: {  	p0 =	seq.s32 s10, $0x1;
	s10 =	sld [smem:$0x3FAF];
	_ =	sdelay $0x3  }
0x34: {  	[smem:$0x3FAF] =	sst s10  }
0x35: {  	s10 =	sld [smem:$0x3FAE];
	_ =	sdelay $0x3  }
0x36: {  	p1 =	seq.s32 s10, $0x1;
	s10 =	sld [smem:$0x3FAF];
	_ =	sdelay $0x3  }
0x37: {  	[smem:$0x3FAF] =	sst s10  }
0x38: {  	s10 =	sld [smem:$0x3FB0]  }
0x39: {  	_ = 	snop;
	(pc) =	sbr.ind lr, $3  }
0x3a: {  	_ = 	snop  }
0x3b: {  	_ = 	snop  }
0x3c: {  	p2 =	seq.s32 s10, $0x1;
	s10 =	sld [smem:$0x3FAF]  }
0x3d: {  	_ =	shalt  }
0x3e: {  	_ =	shalt  }
0x3f: {  	_ =	shalt  }
0x40: {  	_ =	shalt  }
0x41: {  	_ =	shalt  }
0x42: {  	_ =	shalt  }
0x43: {  	_ =	shalt  }
0x44: {  	_ =	shalt  }
0x45: {  	_ =	shalt  }
0x46: {  	_ =	shalt  }
0x47: {  	_ =	shalt  }
0x48: {  	_ =	shalt  }
0x49: {  	_ =	shalt  }
0x4a: {  	_ =	shalt  }
0x4b: {  	_ =	shalt  }
0x4c: {  	_ =	shalt  }
0x4d: {  	_ =	shalt  }
0x4e: {  	_ =	shalt  }
0x4f: {  	_ =	shalt  }
0x50: {  	_ =	shalt  }
0x51: {  	_ =	shalt  }
0x52: {  	_ =	shalt  }
0x53: {  	_ =	shalt  }
0x54: {  	_ =	shalt  }
0x55: {  	_ =	shalt  }
0x56: {  	_ =	shalt  }
0x57: {  	_ =	shalt  }
0x58: {  	_ =	shalt  }
0x59: {  	_ =	shalt  }
0x5a: {  	_ =	shalt  }
0x5b: {  	_ =	shalt  }
0x5c: {  	_ =	shalt  }
0x5d: {  	_ =	shalt  }
0x5e: {  	_ =	shalt  }
0x5f: {  	_ =	shalt  }
0x60: {  	_ =	shalt  }
0x61: {  	_ =	shalt  }
0x62: {  	_ =	shalt  }
0x63: {  	_ =	shalt  }
0x64: {  	_ =	shalt  }
0x65: {  	_ =	shalt  }
0x66: {  	_ =	shalt  }
0x67: {  	_ =	shalt  }
0x68: {  	_ =	shalt  }
0x69: {  	_ =	shalt  }
0x6a: {  	_ =	shalt  }
0x6b: {  	_ =	shalt  }
0x6c: {  	_ =	shalt  }
0x6d: {  	_ =	shalt  }
0x6e: {  	_ =	shalt  }
0x6f: {  	_ =	shalt  }
0x70: {  	_ =	shalt  }
0x71: {  	_ =	shalt  }
0x72: {  	_ =	shalt  }
0x73: {  	_ =	shalt  }
0x74: {  	_ =	shalt  }
0x75: {  	_ =	shalt  }
0x76: {  	_ =	shalt  }
0x77: {  	_ =	shalt  }
0x78: {  	_ =	shalt  }
0x79: {  	_ =	shalt  }
0x7a: {  	_ =	shalt  }
0x7b: {  	_ =	shalt  }
0x7c: {  	_ =	shalt  }
0x7d: {  	_ =	shalt  }
0x7e: {  	_ =	shalt  }
0x7f: {  	_ =	shalt  }
0x80: {  	_ =	shalt  }
0x81: {  	_ =	shalt  }
0x82: {  	_ =	shalt  }
0x83: {  	_ =	shalt  }
0x84: {  	_ =	shalt  }
0x85: {  	_ =	shalt  }
0x86: {  	_ =	shalt  }
0x87: {  	_ =	shalt  }
.Lfunc_end0:
.L_simem_size_0:
called_computation.1_lowered:
.L_overlay_start_0:
0x88: {  	s2 =	sld [smem:$0x3FD9]  }
0x89: {  	s3 =	sld [smem:$0x3FFE];
	_ =	sdelay $0x1  }
0x8a: {  	s1 =	srdreg.scid  }
0x8b: {  	s0 =	sand.u32 $0x1, s1  }
0x8c: {  	s17 =	sshll.u32 s0, $0xA;
	s2 =	sadd.s32 s3, s2  }
0x8d: {  	s2 =	sadd.s32 s2, s17  }
0x8e: {  	[smem:$0x3FBB] =	sst s2  }
0x8f: {  	_ = 	snop  }
0x90: {  	s2 =	sld [smem:$0x3FD0];
	(tm) =	ssettm $0x1  }
0x91: {  	s18 =	sld [smem:$0x3FFB];
	_ =	sdelay $0x3  }
0x92: {  	_ =	strace s18  }
0x93: {  	s3 =	sld [smem:$0x3FFC];
	_ =	sdelay $0x3  }
0x94: {  	_ =	strace s3  }
0x95: {  	s3 =	sld [smem:$0x3FFD];
	_ =	sdelay $0x3  }
0x96: {  	_ =	strace s3  }
0x97: {  	_ =	strace $0x8FFFFFFF  }
0x98: {  	s19 =	sld [smem:$0x3FDB];
	_ =	sdelay $0x1  }
0x99: {  	s4 =	simm.s32 $_scs_section_size  }
0x9a: {  	s5 =	simm.s32 $_size__tile_overlayer_lowered;
	s6 =	simm.s32 $_tile_overlayer_lowered  }
0x9b: {  	s22 =	simm.s32 $0x1BFF;
	s21 =	sshll.u32 s6, $0x1;
	s3 =	sadd.s32 s4, s19  }
0x9c: {  	s7 =	simm.s32 $0x0;
	s20 =	sshll.u32 s5, $0x1;
	s5 =	sadd.s32 s21, s3  }
0x9d: {  	[timem:s7], [sflag:s22] =	dma.local [hbm:s5], s20  }
0x9e: {  	_ =	swait.ge [sflag:s22], s20  }
0x9f: {  	s4 =	ssub.s32 $0x0, s20;
	[sflag:s22] =	ssyncset.done $0x0  }
0xa0: {  	[sflag:s22] =	ssyncadd.s32 s4;
	_ =	sdelay $0x1  }
0xa1: {  	s23 =	simm.s32 $0x1B8B  }
0xa2: {  	_ =	swait.ge [sflag:s23], $0x1  }
0xa3: {  	[sflag:s23] =	ssyncset.done $0x0  }
0xa4: {  	s25 =	simm.s32 $0x1B8E;
	s24 =	sld [smem:$0x3FFE];
	[sflag:s23] =	ssyncadd.s32 $0xFFFFFFFF  }
0xa5: {  	s26 =	simm.s32 $execute0_lowered;
	[smem:$0x3FD2] =	sst s25  }
0xa6: {  	s5 =	sshll.u32 s26, $0x1;
	_ =	strace $0x80000049;
	[dreg:$0x1] =	wrdreg $0xFFFFFFFF  }
0xa7: {  	s28 =	simm.s32 $_size_execute0_lowered;
	s3 =	sadd.s32 s3, s5;
	[dreg:$0x0] =	wrdreg $0x0  }
0xa8: {  	s5 =	sshll.u32 s28, $0x1;
	[dreg:$0x2] =	wrdreg s3  }
0xa9: {  	[dreg:$0x3] =	wrdreg s5  }
0xaa: {  	[dreg:$0x4] =	wrdreg $0xC0  }
0xab: {  	_ =	task [dreg:s7], $0x5FFFF  }
0xac: {  	[dreg:$0x1] =	wrdreg $0xFFFFFFFF  }
0xad: {  	[dreg:$0x0] =	wrdreg $0x60  }
0xae: {  	[dreg:$0x2] =	wrdreg s24  }
0xaf: {  	[dreg:$0x3] =	wrdreg s2  }
0xb0: {  	[dreg:$0x4] =	wrdreg $0x9  }
0xb1: {  	_ =	task.clear_ibuf [dreg:s7], $0x5FFFF;
	_ =	strace $0x90000049  }
0xb2: {  	s29 =	simm.s32 $0x9;
	_ =	strace $0x8000004B  }
0xb3: {  	_ =	swait.ge [sflag:s29], $0x1  }
0xb4: {  	[sflag:s29] =	ssyncadd.s32 $0xFFFFFFFF  }
0xb5: {  	_ =	strace $0x9000004B  }
0xb6: {  	_ =	sfence  }
0xb7: {  	s30 =	sld [smem:$0x0];
	_ =	sdelay $0x2  }
0xb8: {  	s31 =	sshll.u32 s1, $0xD;
	s1 =	sshrl.u32 s1, $0x2  }
0xb9: {  	s3 =	sand.u32 $0x4000, s31;
	s1 =	sadd.s32 s1, s30  }
0xba: {  	s0 =	sor.u32 s3, s0;
	s1 =	sshll.u32 s1, $0x11  }
0xbb: {  	s0 =	sor.u32 s1, s0  }
0xbc: {  	s0 =	sadd.s32 $0x8F2B, s0  }
0xbd: {  	[sflag:s0] =	ssyncadd.remote.s32 $0x1  }
0xbe: {  	_ =	sfence.sel $0xFFFF  }
0xbf: {  	[dreg:$0x0] =	wrdreg $0xFFFFFFFF;
	(pc) =	sbr.abs _section_cstart, $3  }
0xc0: {  	[dreg:$0x1] =	wrdreg $0xFFFFFFFF  }
0xc1: {  	_ =	task.clear_ibuf [dreg:s7], $0x2FFFF;
	_ =	strace $0x9FFFFFFF  }
0xc2: {  	(tm) =	ssettm $0x7FFFFFFF  }
0xc3: {  	_ =	shalt  }
tec
execute0_lowered:
.L_overlay_start_1:
0x0: {  	(tag) =	ssettag $0x1  }
0x1: {  	s5 =	rddreg [dreg:$0x0];
	s0 =	srdreg.scid  }
0x2: {  	s14 =	rddreg [dreg:$0x1];
	s15 =	sand.u32 $0x1, s0  }
0x3: {  	s1 =	stileid.u32;
	s2 =	simm.s32 $0x0;
	s3 =	sshll.u32 s15, $0x6  }
0x4: {  	s0 =	rddreg [dreg:$0x2];
	s4 =	sshll.u32 s1, $0x7;
	s3 =	sadd.s32 s3, s5  }
0x5: {  	[smem:$0x7FF] =	sst s2;
	s3 =	sadd.s32 s4, s3  }
0x6: {  	_ =	strace $0x8000004A;
	s4 =	sadd.s32 $0x1000, s3;
	s3 =	simm.s32 $0x2  }
0x7: {  	[tilespmem:s2], [sflag:$0x2] =	stream.linear.gather [hbm4b:s4+s2], $0x200, $0x38;
	[tilespmem:$0x10200] =	vst v63  }
0x8: {  	_ =	swait.ge [sflag:s3], $0x200  }
0x9: {  	s6 =	simm.s32 $0x80;
	[sflag:s3] =	ssyncset.done $0x0  }
0xa: {  	s7 =	simm.s32 $0x200;
	s5 =	sadd.s32 $0x1800, s5;
	[sflag:s3] =	ssyncadd.s32 $0xFFFFFE00  }
0xb: {  	[tilespmem:s7], [sflag:$0x1] =	stream.indirect.gather [hbm4b:s5+s6], $0x80, s2, s6, $0xb8;
	[tilespmem:$0x10200] =	vst v63  }
0xc: {  	s8 =	simm.s32 $0x4200  }
0xd: {  	[tilespmem:s8], [sflag:$0x1] =	stream.indirect.gather [hbm4b:s5+s6], $0x80, s6, s6, $0xb8;
	[tilespmem:$0x10200] =	vst v63  }
0xe: {  	s9 =	simm.s32 $0x100;
	s10 =	simm.s32 $0x8200  }
0xf: {  	[tilespmem:s10], [sflag:$0x1] =	stream.indirect.gather [hbm4b:s5+s6], $0x80, s9, s6, $0xb8;
	[tilespmem:$0x10200] =	vst v63  }
0x10: {  	s11 =	simm.s32 $0x180;
	s12 =	simm.s32 $0xC200;
	s13 =	simm.s32 $0x1  }
0x11: {  	[tilespmem:s12], [sflag:$0x1] =	stream.indirect.gather [hbm4b:s5+s6], $0x80, s11, s6, $0xb8;
	[tilespmem:$0x10200] =	vst v63  }
0x12: {  	_ =	swait.ge [sflag:s13], $0x4000  }
0x13: {  	[sflag:s13] =	ssyncset.done $0x0  }
0x14: {  	[sflag:s13] =	ssyncadd.s32 $0xFFFFC000  }
0x15: {  	_ =	swait.ge [sflag:s13], $0x4000  }
0x16: {  	[sflag:s13] =	ssyncset.done $0x0  }
0x17: {  	s16 =	ssub.s32 $0x2, s15;
	[sflag:s13] =	ssyncadd.s32 $0xFFFFC000  }
0x18: {  	s17 =	sshrl.u32 s16, $0x1;
	_ =	swait.ge [sflag:s13], $0x4000  }
0x19: {  	s16 =	ssub.s32 s16, s17;
	[sflag:s13] =	ssyncset.done $0x0  }
0x1a: {  	s30 =	sshll.u32 s1, $0xE;
	s31 =	smax.u32 s16, $0x1;
	[sflag:s13] =	ssyncadd.s32 $0xFFFFC000  }
0x1b: {  	s15 =	sshll.u32 s15, $0xD;
	p0 =	sne.s32 s31, $0x1;
	_ =	swait.ge [sflag:s13], $0x4000  }
.Ltmp0:
0x1c: {  	s14 =	sadd.s32 s14, s15;
	[sflag:s13] =	ssyncset.done $0x0;
	(pc) =	sbr.rel @!p0 .LBB2_2-.Ltmp0, $4  }
0x1d: {  	s14 =	sadd.s32 s30, s14;
	[sflag:s13] =	ssyncadd.s32 $0xFFFFC000  }
0x1e: {  	[hbm4b:s14+s2] =	stream.linear.scatter [tilespmem:s7], [sflag:$0x2], $0x10000, $0x38;
	[tilespmem:$0x10200] =	vst v63  }
0x1f: {  	_ =	swait.ge [sflag:s3], $0x10000  }
0x20: {  	s15 =	sadd.s32 $0xFFFFFFFF, s31;
	[sflag:s3] =	ssyncset.done $0x0  }
.LBB2_1:
0x21: {  	p0 =	sne.s32 s15, $0x1;
	s15 =	sadd.s32 $0xFFFFFFFF, s15;
	[sflag:s3] =	ssyncadd.s32 $0xFFFF0000  }
0x22: {  	[tilespmem:s2], [sflag:$0x2] =	stream.linear.gather [hbm4b:s4+s2], $0x200, $0x38;
	[tilespmem:$0x10200] =	vst v63  }
0x23: {  	_ =	swait.ge [sflag:s3], $0x200  }
0x24: {  	[sflag:s3] =	ssyncset.done $0x0  }
0x25: {  	[sflag:s3] =	ssyncadd.s32 $0xFFFFFE00  }
0x26: {  	[tilespmem:s7], [sflag:$0x1] =	stream.indirect.gather [hbm4b:s5+s6], $0x80, s2, s6, $0xb8;
	[tilespmem:$0x10200] =	vst v63  }
0x27: {  	_ = 	snop  }
0x28: {  	[tilespmem:s8], [sflag:$0x1] =	stream.indirect.gather [hbm4b:s5+s6], $0x80, s6, s6, $0xb8;
	[tilespmem:$0x10200] =	vst v63  }
0x29: {  	_ = 	snop  }
0x2a: {  	[tilespmem:s10], [sflag:$0x1] =	stream.indirect.gather [hbm4b:s5+s6], $0x80, s9, s6, $0xb8;
	[tilespmem:$0x10200] =	vst v63  }
0x2b: {  	_ = 	snop  }
0x2c: {  	[tilespmem:s12], [sflag:$0x1] =	stream.indirect.gather [hbm4b:s5+s6], $0x80, s11, s6, $0xb8;
	[tilespmem:$0x10200] =	vst v63  }
0x2d: {  	_ =	swait.ge [sflag:s13], $0x4000  }
0x2e: {  	[sflag:s13] =	ssyncset.done $0x0  }
0x2f: {  	[sflag:s13] =	ssyncadd.s32 $0xFFFFC000  }
0x30: {  	_ =	swait.ge [sflag:s13], $0x4000  }
0x31: {  	[sflag:s13] =	ssyncset.done $0x0  }
0x32: {  	[sflag:s13] =	ssyncadd.s32 $0xFFFFC000  }
0x33: {  	_ =	swait.ge [sflag:s13], $0x4000  }
0x34: {  	[sflag:s13] =	ssyncset.done $0x0  }
0x35: {  	[sflag:s13] =	ssyncadd.s32 $0xFFFFC000  }
0x36: {  	_ =	swait.ge [sflag:s13], $0x4000  }
.Ltmp1:
0x37: {  	[sflag:s13] =	ssyncset.done $0x0;
	(pc) =	sbr.rel @p0 .LBB2_1-.Ltmp1, $4  }
0x38: {  	[sflag:s13] =	ssyncadd.s32 $0xFFFFC000  }
0x39: {  	[hbm4b:s14+s2] =	stream.linear.scatter [tilespmem:s7], [sflag:$0x2], $0x10000, $0x38;
	[tilespmem:$0x10200] =	vst v63  }
0x3a: {  	_ =	swait.ge [sflag:s3], $0x10000  }
0x3b: {  	[sflag:s3] =	ssyncset.done $0x0  }
.LBB2_2:
0x3c: {  	[sflag:s3] =	ssyncadd.s32 $0xFFFF0000  }
0x3d: {  	_ =	sfence.sel $0x180000  }
0x3e: {  	[bflag:$0x0] =	sbarrier.arrive $0xFFFF  }
0x3f: {  	p0 =	sne.s32 s1, $0x0;
	_ =	strace $0x9000004A  }
0x40: {  	s0 =	sadd.s32 @!p0 $0x100000, s0;
	[bflag:$0x2] =	sbarrier.arrive $0xFFFF  }
0x41: {  	[sflag:s0] =	ssyncadd.tile.s32 @!p0 $0x1;
	_ =	shalt  }
.Lfunc_end2:
_tile_overlayer_lowered:
.L_overlay_start_2:
0x42: {  	(tag) =	ssettag $0x2  }
0x43: {  	s0 =	rddreg [dreg:$0x0];
	s2 =	stileid.u32  }
0x44: {  	s1 =	rddreg [dreg:$0x1];
	p0 =	sne.s32 s2, $0x0  }
0x45: {  	s3 =	rddreg [dreg:$0x2];
	[bflag:$0x3] =	sbarrier.arrive $0xFFFF;
	s2 =	simm.s32 @!p0 $0x1C02  }
0x46: {  	[timem:s3], [sflag:s2] =	dma.local @!p0 [hbm:s0], s1  }
0x47: {  	s0 =	simm.s32 @!p0 $0x2  }
0x48: {  	_ =	swait.ge @!p0 [sflag:s0], s1  }
0x49: {  	s1 =	ssub.s32 @!p0 $0x0, s1;
	[sflag:s0] =	ssyncset.done @!p0 $0x0  }
0x4a: {  	[sflag:s0] =	ssyncadd.s32 @!p0 s1  }
0x4b: {  	[bflag:$0x3] =	sbarrier.arrive $0xFFFF  }
0x4c: {  	_ =	shalt  }

// kernel: kernel.8.cloned.1.call-start
scs
__scs_entry_jumppad:
0x0: {  	(pc) =	sbr.rel $0x88, $3  }
0x1: {  	(tag) =	ssettag $0x0;
	lr =	simm.s32 $0x1  }
0x2: {  	[smem:$0x3F94] =	sst lr;
	_ =	strace $0xD0000000  }
0x3: {  	_ = 	snop  }
0x4: {  	_ = 	snop  }
0x5: {  	_ = 	snop  }
0x6: {  	_ = 	snop  }
0x7: {  	_ = 	snop  }
__scs_overlays_trampoline_lowered:
0x8: {  	[smem:$0x3FA3] =	sst s0  }
0x9: {  	[smem:$0x3FA4] =	sst s1  }
0xa: {  	[smem:$0x3FA5] =	sst s2  }
0xb: {  	[smem:$0x3FA6] =	sst s3  }
0xc: {  	[smem:$0x3FA7] =	sst s4  }
0xd: {  	[smem:$0x3FA8] =	sst s5  }
0xe: {  	[smem:$0x3FA9] =	sst s6  }
0xf: {  	[smem:$0x3FAA] =	sst s7  }
0x10: {  	[smem:$0x3FAB] =	sst s8  }
0x11: {  	[smem:$0x3FAC] =	sst s9;
	s0 =	simm.s32 @!p0 $0x0  }
0x12: {  	s1 =	sld [smem:$0x3F92];
	s0 =	simm.s32 @p0 $0x1  }
0x13: {  	[smem:$0x3FAD] =	sst s0;
	s0 =	simm.s32 @!p1 $0x0  }
0x14: {  	s2 =	sld [smem:$0x3F91];
	s0 =	simm.s32 @p1 $0x1  }
0x15: {  	[smem:$0x3FAE] =	sst s0;
	s0 =	simm.s32 @!p2 $0x0  }
0x16: {  	s3 =	sld [smem:$0x3FDB];
	s0 =	simm.s32 @p2 $0x1  }
0x17: {  	s4 =	simm.s32 $0x1BF5;
	[smem:$0x3FB0] =	sst s0  }
0x18: {  	s0 =	sld [smem:$0x3F93];
	_ =	swait.ge [sflag:s4], $0x0  }
0x19: {  	s7 =	sld [smem:$0x3F94]  }
0x1a: {  	s8 =	sadd.s32 $0xFFFFE003, lr  }
0x1b: {  	s9 =	sadd.s32 $0xFFFFFEF7, lr;
	s5 =	simm.s32 $0xFFFFFFFF;
	p2 =	slt.u32 s8, $0xFFFFF086  }
0x1c: {  	p1 =	slt.u32 s9, $0xF7A;
	s5 =	simm.s32 @!p2 $0x0  }
0x1d: {  	s5 =	simm.s32 @p1 $0x1;
	p0 =	seq.s32 s7, s2  }
0x1e: {  	s7 =	smul.u32 @!p0 $0xF7A, s2;
	p2 =	seq.s32 @!p0 s5, $0x0  }
0x1f: {  	s9 =	smul.u32 $0xF7A, s1;
	s8 =	simm.s32 @!p0 $0x1BF5;
	p2 =	por !p2, p0  }
0x20: {  	[sflag:s8] =	ssyncset.s32 @!p0 $0xFFFFF086;
	s6 =	sadd.s32 @!p0 s3, s7;
	s7 =	simm.s32 @!p0 $0x108  }
0x21: {  	s3 =	sadd.s32 s3, s9;
	s6 =	sadd.s32 @!p0 $0x88, s6;
	s7 =	simm.s32 @p2 $0x1082  }
0x22: {  	[simem:s7], [sflag:s8] =	dma.local @!p0 [hbm:s6], $0xF7A  }
0x23: {  	s9 =	sor.u32 $0xD0000000, s2;
	s6 =	simm.s32 $0x108;
	_ =	swait.ge @!p0 [sflag:s8], $0x0  }
0x24: {  	s3 =	sadd.s32 $0x88, s3;
	s6 =	simm.s32 @!p1 $0x1082;
	[sflag:s4] =	ssyncset.s32 $0xFFFFF086  }
0x25: {  	[simem:s6], [sflag:s4] =	dma.local [hbm:s3], $0xF7A  }
0x26: {  	[smem:$0x3F94] =	sst s1;
	(tag) =	ssettag s2;
	_ =	strace s9  }
0x27: {  	s1 =	sld [smem:$0x3FA4]  }
0x28: {  	s2 =	sld [smem:$0x3FA5]  }
0x29: {  	s4 =	sld [smem:$0x3FA7]  }
0x2a: {  	p0 =	seq.s32 s5, $0x0;
	s5 =	sld [smem:$0x3FA8]  }
0x2b: {  	s6 =	sld [smem:$0x3FA9]  }
0x2c: {  	s7 =	sld [smem:$0x3FAA]  }
0x2d: {  	s3 =	simm.s32 $0x108;
	s8 =	sld [smem:$0x3FAB]  }
0x2e: {  	s3 =	simm.s32 @!p0 $0x1082;
	s9 =	sld [smem:$0x3FAC]  }
0x2f: {  	lr =	sadd.s32 s0, s3;
	s0 =	sld [smem:$0x3FA3]  }
0x30: {  	s3 =	sld [smem:$0x3FA6]  }
0x31: {  	[smem:$0x3FAF] =	sst s10  }
0x32: {  	s10 =	sld [smem:$0x3FAD];
	_ =	sdelay $0x3  }
0x33: {  	p0 =	seq.s32 s10, $0x1;
	s10 =	sld [smem:$0x3FAF];
	_ =	sdelay $0x3  }
0x34: {  	[smem:$0x3FAF] =	sst s10  }
0x35: {  	s10 =	sld [smem:$0x3FAE];
	_ =	sdelay $0x3  }
0x36: {  	p1 =	seq.s32 s10, $0x1;
	s10 =	sld [smem:$0x3FAF];
	_ =	sdelay $0x3  }
0x37: {  	[smem:$0x3FAF] =	sst s10  }
0x38: {  	s10 =	sld [smem:$0x3FB0]  }
0x39: {  	_ = 	snop;
	(pc) =	sbr.ind lr, $3  }
0x3a: {  	_ = 	snop  }
0x3b: {  	_ = 	snop  }
0x3c: {  	p2 =	seq.s32 s10, $0x1;
	s10 =	sld [smem:$0x3FAF]  }
0x3d: {  	_ =	shalt  }
0x3e: {  	_ =	shalt  }
0x3f: {  	_ =	shalt  }
0x40: {  	_ =	shalt  }
0x41: {  	_ =	shalt  }
0x42: {  	_ =	shalt  }
0x43: {  	_ =	shalt  }
0x44: {  	_ =	shalt  }
0x45: {  	_ =	shalt  }
0x46: {  	_ =	shalt  }
0x47: {  	_ =	shalt  }
0x48: {  	_ =	shalt  }
0x49: {  	_ =	shalt  }
0x4a: {  	_ =	shalt  }
0x4b: {  	_ =	shalt  }
0x4c: {  	_ =	shalt  }
0x4d: {  	_ =	shalt  }
0x4e: {  	_ =	shalt  }
0x4f: {  	_ =	shalt  }
0x50: {  	_ =	shalt  }
0x51: {  	_ =	shalt  }
0x52: {  	_ =	shalt  }
0x53: {  	_ =	shalt  }
0x54: {  	_ =	shalt  }
0x55: {  	_ =	shalt  }
0x56: {  	_ =	shalt  }
0x57: {  	_ =	shalt  }
0x58: {  	_ =	shalt  }
0x59: {  	_ =	shalt  }
0x5a: {  	_ =	shalt  }
0x5b: {  	_ =	shalt  }
0x5c: {  	_ =	shalt  }
0x5d: {  	_ =	shalt  }
0x5e: {  	_ =	shalt  }
0x5f: {  	_ =	shalt  }
0x60: {  	_ =	shalt  }
0x61: {  	_ =	shalt  }
0x62: {  	_ =	shalt  }
0x63: {  	_ =	shalt  }
0x64: {  	_ =	shalt  }
0x65: {  	_ =	shalt  }
0x66: {  	_ =	shalt  }
0x67: {  	_ =	shalt  }
0x68: {  	_ =	shalt  }
0x69: {  	_ =	shalt  }
0x6a: {  	_ =	shalt  }
0x6b: {  	_ =	shalt  }
0x6c: {  	_ =	shalt  }
0x6d: {  	_ =	shalt  }
0x6e: {  	_ =	shalt  }
0x6f: {  	_ =	shalt  }
0x70: {  	_ =	shalt  }
0x71: {  	_ =	shalt  }
0x72: {  	_ =	shalt  }
0x73: {  	_ =	shalt  }
0x74: {  	_ =	shalt  }
0x75: {  	_ =	shalt  }
0x76: {  	_ =	shalt  }
0x77: {  	_ =	shalt  }
0x78: {  	_ =	shalt  }
0x79: {  	_ =	shalt  }
0x7a: {  	_ =	shalt  }
0x7b: {  	_ =	shalt  }
0x7c: {  	_ =	shalt  }
0x7d: {  	_ =	shalt  }
0x7e: {  	_ =	shalt  }
0x7f: {  	_ =	shalt  }
0x80: {  	_ =	shalt  }
0x81: {  	_ =	shalt  }
0x82: {  	_ =	shalt  }
0x83: {  	_ =	shalt  }
0x84: {  	_ =	shalt  }
0x85: {  	_ =	shalt  }
0x86: {  	_ =	shalt  }
0x87: {  	_ =	shalt  }
.Lfunc_end0:
.L_simem_size_0:
called_computation_lowered:
.L_overlay_start_0:
0x88: {  	s2 =	sld [smem:$0x3FD9]  }
0x89: {  	s3 =	sld [smem:$0x3FFE];
	_ =	sdelay $0x1  }
0x8a: {  	s1 =	srdreg.scid  }
0x8b: {  	s0 =	sand.u32 $0x1, s1  }
0x8c: {  	s17 =	sshll.u32 s0, $0xA;
	s2 =	sadd.s32 s3, s2  }
0x8d: {  	s2 =	sadd.s32 s2, s17  }
0x8e: {  	[smem:$0x3FBB] =	sst s2  }
0x8f: {  	_ = 	snop  }
0x90: {  	s2 =	sld [smem:$0x3FBD]  }
0x91: {  	s18 =	sld [smem:$0x3FD0];
	(tm) =	ssettm $0x1  }
0x92: {  	s4 =	sld [smem:$0x3FFB];
	_ =	sdelay $0x3  }
0x93: {  	_ =	strace s4  }
0x94: {  	s4 =	sld [smem:$0x3FFC];
	_ =	sdelay $0x3  }
0x95: {  	_ =	strace s4  }
0x96: {  	s4 =	sld [smem:$0x3FFD];
	_ =	sdelay $0x3  }
0x97: {  	_ =	strace s4  }
0x98: {  	_ =	strace $0x8FFFFFFF  }
0x99: {  	s19 =	sld [smem:$0x3FDB];
	_ =	sdelay $0x1  }
0x9a: {  	s5 =	simm.s32 $_scs_section_size  }
0x9b: {  	s6 =	simm.s32 $_size__tile_overlayer_lowered;
	s7 =	simm.s32 $_tile_overlayer_lowered  }
0x9c: {  	s22 =	simm.s32 $0x1BFF;
	s21 =	sshll.u32 s7, $0x1;
	s4 =	sadd.s32 s5, s19  }
0x9d: {  	s8 =	simm.s32 $0x0;
	s20 =	sshll.u32 s6, $0x1;
	s6 =	sadd.s32 s21, s4  }
0x9e: {  	[timem:s8], [sflag:s22] =	dma.local [hbm:s6], s20  }
0x9f: {  	_ =	swait.ge [sflag:s22], s20  }
0xa0: {  	s5 =	ssub.s32 $0x0, s20;
	[sflag:s22] =	ssyncset.done $0x0  }
0xa1: {  	[sflag:s22] =	ssyncadd.s32 s5;
	_ =	sdelay $0x1  }
0xa2: {  	s23 =	simm.s32 $0x1B8B  }
0xa3: {  	_ =	swait.ge [sflag:s23], $0x1  }
0xa4: {  	[sflag:s23] =	ssyncset.done $0x0  }
0xa5: {  	s25 =	simm.s32 $0x1B8E;
	s24 =	sld [smem:$0x3FFE];
	[sflag:s23] =	ssyncadd.s32 $0xFFFFFFFF  }
0xa6: {  	s26 =	simm.s32 $execute0_lowered;
	[smem:$0x3FD2] =	sst s25  }
0xa7: {  	s6 =	sshll.u32 s26, $0x1;
	_ =	strace $0x80000046;
	[dreg:$0x1] =	wrdreg $0xFFFFFFFF  }
0xa8: {  	s28 =	simm.s32 $_size_execute0_lowered;
	s4 =	sadd.s32 s4, s6;
	[dreg:$0x0] =	wrdreg $0x0  }
0xa9: {  	s6 =	sshll.u32 s28, $0x1;
	[dreg:$0x2] =	wrdreg s4  }
0xaa: {  	[dreg:$0x3] =	wrdreg s6  }
0xab: {  	[dreg:$0x4] =	wrdreg $0xC0  }
0xac: {  	_ =	task [dreg:s8], $0x5FFFF  }
0xad: {  	[dreg:$0x1] =	wrdreg $0xFFFFFFFF  }
0xae: {  	[dreg:$0x0] =	wrdreg $0x60  }
0xaf: {  	[dreg:$0x2] =	wrdreg s2  }
0xb0: {  	[dreg:$0x3] =	wrdreg s24  }
0xb1: {  	[dreg:$0x4] =	wrdreg s18  }
0xb2: {  	[dreg:$0x5] =	wrdreg $0x9  }
0xb3: {  	_ =	task.clear_ibuf [dreg:s8], $0x6FFFF;
	_ =	strace $0x90000046  }
0xb4: {  	s29 =	simm.s32 $0x9;
	_ =	strace $0x80000048  }
0xb5: {  	_ =	swait.ge [sflag:s29], $0x1  }
0xb6: {  	[sflag:s29] =	ssyncadd.s32 $0xFFFFFFFF  }
0xb7: {  	_ =	strace $0x90000048  }
0xb8: {  	_ =	sfence  }
0xb9: {  	s30 =	sld [smem:$0x0];
	_ =	sdelay $0x2  }
0xba: {  	s31 =	sshll.u32 s1, $0xD;
	s1 =	sshrl.u32 s1, $0x2  }
0xbb: {  	s3 =	sand.u32 $0x4000, s31;
	s1 =	sadd.s32 s1, s30  }
0xbc: {  	s0 =	sor.u32 s3, s0;
	s1 =	sshll.u32 s1, $0x11  }
0xbd: {  	s0 =	sor.u32 s1, s0  }
0xbe: {  	s0 =	sadd.s32 $0x8F2B, s0  }
0xbf: {  	[sflag:s0] =	ssyncadd.remote.s32 $0x1  }
0xc0: {  	_ =	sfence.sel $0xFFFF  }
0xc1: {  	[dreg:$0x0] =	wrdreg $0xFFFFFFFF;
	(pc) =	sbr.abs _section_cstart, $3  }
0xc2: {  	[dreg:$0x1] =	wrdreg $0xFFFFFFFF  }
0xc3: {  	_ =	task.clear_ibuf [dreg:s8], $0x2FFFF;
	_ =	strace $0x9FFFFFFF  }
0xc4: {  	(tm) =	ssettm $0x7FFFFFFF  }
0xc5: {  	_ =	shalt  }
tec
execute0_lowered:
.L_overlay_start_1:
0x0: {  	(tag) =	ssettag $0x1  }
0x1: {  	s0 =	rddreg [dreg:$0x1]  }
0x2: {  	s2 =	srdreg.scid;
	s4 =	simm.s32 $0x0;
	s7 =	stileid.u32  }
0x3: {  	s9 =	simm.s32 $0x80;
	s24 =	simm.s32 $0x280;
	s13 =	simm.s32 $0x1  }
0x4: {  	s14 =	simm.s32 $0x2;
	s25 =	simm.s32 $0x100;
	s26 =	simm.s32 $0x180  }
0x5: {  	s28 =	simm.s32 $0x300;
	s29 =	simm.s32 $0x380;
	s11 =	simm.s32 $0x400  }
0x6: {  	s12 =	simm.s32 $0x4400;
	s30 =	simm.s32 $0x8C00;
	s31 =	simm.s32 $0x9400  }
0x7: {  	s15 =	simm.s32 $0xB400;
	s16 =	simm.s32 $0xBC00;
	[smem:$0x7FF] =	sst s4  }
0x8: {  	s1 =	simm.s32 $0x11400;
	_ =	strace $0x80000047;
	[dreg:$0x8] =	wrdreg s24  }
0x9: {  	s2 =	sand.u32 $0x1, s2;
	s5 =	sshll.u32 s7, $0x7;
	[dreg:$0x9] =	wrdreg s25  }
0xa: {  	s7 =	sshll.u32 s7, $0xF;
	s6 =	sshll.u32 s2, $0x6;
	[dreg:$0xa] =	wrdreg s26  }
0xb: {  	s8 =	sshll.u32 s2, $0xE;
	s2 =	ssub.s32 $0x2, s2;
	[dreg:$0xb] =	wrdreg s28  }
0xc: {  	[dreg:$0xc] =	wrdreg s29;
	s24 =	simm.s32 $0xFC00;
	s25 =	simm.s32 $0x10400  }
0xd: {  	s26 =	simm.s32 $0x10C00;
	s5 =	sor.u32 s6, s5;
	s17 =	sor.u32 s8, s7  }
0xe: {  	s21 =	sshrl.u32 s2, $0x1;
	s7 =	simm.s32 $0x8400;
	s8 =	simm.s32 $0xAC00  }
0xf: {  	s18 =	sadd.s32 s5, s0;
	s6 =	sadd.s32 s17, s0;
	s5 =	sadd.s32 $0x101800, s0  }
0x10: {  	s2 =	ssub.s32 s2, s21;
	s17 =	simm.s32 $0xC400;
	s19 =	sadd.s32 $0x81000, s18  }
0x11: {  	s21 =	simm.s32 $0xE400;
	s20 =	sadd.s32 $0x1000, s18;
	[dreg:$0x4] =	wrdreg s19  }
0x12: {  	s22 =	sadd.s32 $0x81800, s6;
	s23 =	sadd.s32 $0x83800, s6;
	[dreg:$0x5] =	wrdreg s20  }
0x13: {  	v2 =	vlaneseq.u32;
	s6 =	smax.u32 s2, $0x1;
	s2 =	simm.s32 $0xA400;
	[dreg:$0x6] =	wrdreg s22  }
0x14: {  	vm0 =	vmmov $0xffff;
	v1 =	vshrl.u32 v2, $0x3;
	s18 =	simm.s32 $0xCC00;
	[dreg:$0x7] =	wrdreg s23;
	s19 =	simm.s32 $0xD400  }
0x15: {  	v0 =	vand.u32 $0x7, v2;
	v2 =	vor.u32 $0x8, v2;
	v1 =	vmul.u32 $0x8, v1;
	s20 =	simm.s32 $0xDC00;
	s22 =	simm.s32 $0xEC00;
	s23 =	simm.s32 $0xF400  }
.LBB2_1:
0x16: {  	s28 =	rddreg [dreg:$0x4];
	s0 =	simm.s32 $0x3  }
0x17: {  	[tilespmem:s4], [sflag:$0x3] =	stream.linear.gather [hbm4b:s28+s4], $0x200, $0x38;
	[tilespmem:$0x18400] =	vst v63  }
0x18: {  	_ =	swait.ge [sflag:s0], $0x200  }
0x19: {  	[sflag:s0] =	ssyncset.done $0x0  }
0x1a: {  	s29 =	simm.s32 $0x200;
	s3 =	rddreg [dreg:$0x5];
	[sflag:s0] =	ssyncadd.s32 $0xFFFFFE00  }
0x1b: {  	[tilespmem:s29], [sflag:$0x3] =	stream.linear.gather [hbm4b:s3+s4], $0x200, $0x38;
	[tilespmem:$0x18400] =	vst v63  }
0x1c: {  	_ =	swait.ge [sflag:s0], $0x200  }
0x1d: {  	[sflag:s0] =	ssyncset.done $0x0  }
0x1e: {  	[sflag:s0] =	ssyncadd.s32 $0xFFFFFE00  }
0x1f: {  	s3 =	rddreg [dreg:$0x0]  }
0x20: {  	[tilespmem:s11], [sflag:$0x1] =	stream.indirect.gather [hbm4b:s3+s9], $0x80, s4, s9, $0xb8;
	[tilespmem:$0x18400] =	vst v63  }
0x21: {  	_ = 	snop  }
0x22: {  	[tilespmem:s12], [sflag:$0x1] =	stream.indirect.gather [hbm4b:s3+s9], $0x80, s9, s9, $0xb8;
	[tilespmem:$0x18400] =	vst v63  }
0x23: {  	s10 =	rddreg [dreg:$0x6]  }
0x24: {  	[tilespmem:s7], [sflag:$0x2] =	stream.linear.gather [hbm4b:s10+s4], $0x10000, $0x38;
	[tilespmem:$0x18400] =	vst v63  }
0x25: {  	_ =	swait.ge [sflag:s13], $0x4000  }
0x26: {  	[sflag:s13] =	ssyncset.done $0x0  }
0x27: {  	[sflag:s13] =	ssyncadd.s32 $0xFFFFC000  }
0x28: {  	_ =	swait.ge [sflag:s13], $0x4000  }
0x29: {  	[sflag:s13] =	ssyncset.done $0x0  }
0x2a: {  	[sflag:s13] =	ssyncadd.s32 $0xFFFFC000  }
0x2b: {  	s10 =	rddreg [dreg:$0x2]  }
0x2c: {  	[hbm4b:s10+s9] =	stream.indirect.scatter [tilespmem:s11], [sflag:$0x1], $0x80, s29, s9, $0xb8;
	[tilespmem:$0x18400] =	vst v63  }
0x2d: {  	s0 =	rddreg [dreg:$0x8]  }
0x2e: {  	[hbm4b:s10+s9] =	stream.indirect.scatter [tilespmem:s12], [sflag:$0x1], $0x80, s0, s9, $0xb8;
	[tilespmem:$0x18400] =	vst v63  }
0x2f: {  	_ =	swait.ge [sflag:s14], $0x10000  }
0x30: {  	[sflag:s14] =	ssyncset.done $0x0  }
0x31: {  	[sflag:s14] =	ssyncadd.s32 $0xFFFF0000  }
0x32: {  	v3 =	vld [tilespmem:$0x200];
	_ =	sdelay $0x4  }
0x33: {  	v4 =	vshll.u32 v3, $0x1  }
0x34: {  	v3 =	vand.u32 $0x7, v3;
	v4 =	vand.u32 $0xFFFFFFF0, v4  }
0x35: {  	v3 =	vor.u32 v3, v4  }
0x36: {  	v4 =	vperm.xlane v3, v0;
	_ =	sdelay $0x1  }
0x37: {  	v3 =	vperm.xlane v3, v2;
	v4 =	vadd.s32 v1, v4;
	_ =	sdelay $0x1  }
0x38: {  	v3 =	vadd.s32 v1, v3;
	_ =	sdelay $0x2  }
0x39: {  	[hbm4b:s5+s4] =	stream.indirect_vreg.scatter [tilespmem:s7], [sflag:$0x2], $0x80, v4, vm0, $0xb8;
	[tilespmem:$0x18400] =	vst v63  }
0x3a: {  	_ = 	snop  }
0x3b: {  	[hbm4b:s5+s4] =	stream.indirect_vreg.scatter [tilespmem:s30], [sflag:$0x2], $0x80, v3, vm0, $0xb8;
	[tilespmem:$0x18400] =	vst v63  }
0x3c: {  	v3 =	vld [tilespmem:$0x210];
	_ =	sdelay $0x4  }
0x3d: {  	v33 =	vshll.u32 v3, $0x1  }
0x3e: {  	v3 =	vand.u32 $0x7, v3;
	v4 =	vand.u32 $0xFFFFFFF0, v33  }
0x3f: {  	v3 =	vor.u32 v3, v4  }
0x40: {  	v4 =	vperm.xlane v3, v0;
	_ =	sdelay $0x1  }
0x41: {  	v3 =	vperm.xlane v3, v2;
	v4 =	vadd.s32 v1, v4;
	_ =	sdelay $0x1  }
0x42: {  	v3 =	vadd.s32 v1, v3;
	_ =	sdelay $0x2  }
0x43: {  	[hbm4b:s5+s4] =	stream.indirect_vreg.scatter [tilespmem:s31], [sflag:$0x2], $0x80, v4, vm0, $0xb8;
	[tilespmem:$0x18400] =	vst v63  }
0x44: {  	s0 =	simm.s32 $0x9C00  }
0x45: {  	[hbm4b:s5+s4] =	stream.indirect_vreg.scatter [tilespmem:s0], [sflag:$0x2], $0x80, v3, vm0, $0xb8;
	[tilespmem:$0x18400] =	vst v63  }
0x46: {  	v3 =	vld [tilespmem:$0x220];
	_ =	sdelay $0x4  }
0x47: {  	v34 =	vshll.u32 v3, $0x1  }
0x48: {  	v3 =	vand.u32 $0x7, v3;
	v4 =	vand.u32 $0xFFFFFFF0, v34  }
0x49: {  	v3 =	vor.u32 v3, v4  }
0x4a: {  	v4 =	vperm.xlane v3, v0;
	_ =	sdelay $0x1  }
0x4b: {  	v3 =	vperm.xlane v3, v2;
	v4 =	vadd.s32 v1, v4;
	_ =	sdelay $0x1  }
0x4c: {  	v3 =	vadd.s32 v1, v3;
	_ =	sdelay $0x2  }
0x4d: {  	[hbm4b:s5+s4] =	stream.indirect_vreg.scatter [tilespmem:s2], [sflag:$0x2], $0x80, v4, vm0, $0xb8;
	[tilespmem:$0x18400] =	vst v63  }
0x4e: {  	_ = 	snop  }
0x4f: {  	[hbm4b:s5+s4] =	stream.indirect_vreg.scatter [tilespmem:s8], [sflag:$0x2], $0x80, v3, vm0, $0xb8;
	[tilespmem:$0x18400] =	vst v63  }
0x50: {  	v3 =	vld [tilespmem:$0x230];
	_ =	sdelay $0x4  }
0x51: {  	v35 =	vshll.u32 v3, $0x1  }
0x52: {  	v3 =	vand.u32 $0x7, v3;
	v4 =	vand.u32 $0xFFFFFFF0, v35  }
0x53: {  	v3 =	vor.u32 v3, v4  }
0x54: {  	v4 =	vperm.xlane v3, v0;
	_ =	sdelay $0x1  }
0x55: {  	v3 =	vperm.xlane v3, v2;
	v4 =	vadd.s32 v1, v4;
	_ =	sdelay $0x1  }
0x56: {  	v3 =	vadd.s32 v1, v3;
	_ =	sdelay $0x2  }
0x57: {  	[hbm4b:s5+s4] =	stream.indirect_vreg.scatter [tilespmem:s15], [sflag:$0x2], $0x80, v4, vm0, $0xb8;
	[tilespmem:$0x18400] =	vst v63  }
0x58: {  	_ = 	snop  }
0x59: {  	[hbm4b:s5+s4] =	stream.indirect_vreg.scatter [tilespmem:s16], [sflag:$0x2], $0x80, v3, vm0, $0xb8;
	[tilespmem:$0x18400] =	vst v63  }
0x5a: {  	v3 =	vld [tilespmem:$0x240];
	_ =	sdelay $0x4  }
0x5b: {  	v36 =	vshll.u32 v3, $0x1  }
0x5c: {  	v3 =	vand.u32 $0x7, v3;
	v4 =	vand.u32 $0xFFFFFFF0, v36  }
0x5d: {  	v3 =	vor.u32 v3, v4  }
0x5e: {  	v4 =	vperm.xlane v3, v0;
	_ =	sdelay $0x1  }
0x5f: {  	v3 =	vperm.xlane v3, v2;
	v4 =	vadd.s32 v1, v4;
	_ =	sdelay $0x1  }
0x60: {  	v3 =	vadd.s32 v1, v3;
	_ =	sdelay $0x2  }
0x61: {  	[hbm4b:s5+s4] =	stream.indirect_vreg.scatter [tilespmem:s17], [sflag:$0x2], $0x80, v4, vm0, $0xb8;
	[tilespmem:$0x18400] =	vst v63  }
0x62: {  	_ = 	snop  }
0x63: {  	[hbm4b:s5+s4] =	stream.indirect_vreg.scatter [tilespmem:s18], [sflag:$0x2], $0x80, v3, vm0, $0xb8;
	[tilespmem:$0x18400] =	vst v63  }
0x64: {  	v3 =	vld [tilespmem:$0x250];
	_ =	sdelay $0x4  }
0x65: {  	v37 =	vshll.u32 v3, $0x1  }
0x66: {  	v3 =	vand.u32 $0x7, v3;
	v4 =	vand.u32 $0xFFFFFFF0, v37  }
0x67: {  	v3 =	vor.u32 v3, v4  }
0x68: {  	v4 =	vperm.xlane v3, v0;
	_ =	sdelay $0x1  }
0x69: {  	v3 =	vperm.xlane v3, v2;
	v4 =	vadd.s32 v1, v4;
	_ =	sdelay $0x1  }
0x6a: {  	v3 =	vadd.s32 v1, v3;
	_ =	sdelay $0x2  }
0x6b: {  	[hbm4b:s5+s4] =	stream.indirect_vreg.scatter [tilespmem:s19], [sflag:$0x2], $0x80, v4, vm0, $0xb8;
	[tilespmem:$0x18400] =	vst v63  }
0x6c: {  	_ = 	snop  }
0x6d: {  	[hbm4b:s5+s4] =	stream.indirect_vreg.scatter [tilespmem:s20], [sflag:$0x2], $0x80, v3, vm0, $0xb8;
	[tilespmem:$0x18400] =	vst v63  }
0x6e: {  	v3 =	vld [tilespmem:$0x260];
	_ =	sdelay $0x4  }
0x6f: {  	v38 =	vshll.u32 v3, $0x1  }
0x70: {  	v3 =	vand.u32 $0x7, v3;
	v4 =	vand.u32 $0xFFFFFFF0, v38  }
0x71: {  	v3 =	vor.u32 v3, v4  }
0x72: {  	v4 =	vperm.xlane v3, v0;
	_ =	sdelay $0x1  }
0x73: {  	v3 =	vperm.xlane v3, v2;
	v4 =	vadd.s32 v1, v4;
	_ =	sdelay $0x1  }
0x74: {  	v3 =	vadd.s32 v1, v3;
	_ =	sdelay $0x2  }
0x75: {  	[hbm4b:s5+s4] =	stream.indirect_vreg.scatter [tilespmem:s21], [sflag:$0x2], $0x80, v4, vm0, $0xb8;
	[tilespmem:$0x18400] =	vst v63  }
0x76: {  	_ = 	snop  }
0x77: {  	[hbm4b:s5+s4] =	stream.indirect_vreg.scatter [tilespmem:s22], [sflag:$0x2], $0x80, v3, vm0, $0xb8;
	[tilespmem:$0x18400] =	vst v63  }
0x78: {  	v3 =	vld [tilespmem:$0x270];
	_ =	sdelay $0x4  }
0x79: {  	v39 =	vshll.u32 v3, $0x1  }
0x7a: {  	v3 =	vand.u32 $0x7, v3;
	v4 =	vand.u32 $0xFFFFFFF0, v39  }
0x7b: {  	v3 =	vor.u32 v3, v4  }
0x7c: {  	v4 =	vperm.xlane v3, v0;
	_ =	sdelay $0x1  }
0x7d: {  	v3 =	vperm.xlane v3, v2;
	v4 =	vadd.s32 v1, v4;
	_ =	sdelay $0x1  }
0x7e: {  	v3 =	vadd.s32 v1, v3;
	_ =	sdelay $0x2  }
0x7f: {  	[hbm4b:s5+s4] =	stream.indirect_vreg.scatter [tilespmem:s23], [sflag:$0x2], $0x80, v4, vm0, $0xb8;
	[tilespmem:$0x18400] =	vst v63  }
0x80: {  	_ = 	snop  }
0x81: {  	[hbm4b:s5+s4] =	stream.indirect_vreg.scatter [tilespmem:s24], [sflag:$0x2], $0x80, v3, vm0, $0xb8;
	[tilespmem:$0x18400] =	vst v63  }
0x82: {  	v3 =	vld [tilespmem:$0x280];
	_ =	sdelay $0x4  }
0x83: {  	v40 =	vshll.u32 v3, $0x1  }
0x84: {  	v3 =	vand.u32 $0x7, v3;
	v4 =	vand.u32 $0xFFFFFFF0, v40  }
0x85: {  	v3 =	vor.u32 v3, v4  }
0x86: {  	v4 =	vperm.xlane v3, v0;
	_ =	sdelay $0x1  }
0x87: {  	v3 =	vperm.xlane v3, v2;
	v4 =	vadd.s32 v1, v4;
	_ =	sdelay $0x1  }
0x88: {  	v3 =	vadd.s32 v1, v3;
	_ =	sdelay $0x2  }
0x89: {  	[hbm4b:s5+s4] =	stream.indirect_vreg.scatter [tilespmem:s25], [sflag:$0x2], $0x80, v4, vm0, $0xb8;
	[tilespmem:$0x18400] =	vst v63  }
0x8a: {  	_ = 	snop  }
0x8b: {  	[hbm4b:s5+s4] =	stream.indirect_vreg.scatter [tilespmem:s26], [sflag:$0x2], $0x80, v3, vm0, $0xb8;
	[tilespmem:$0x18400] =	vst v63  }
0x8c: {  	v3 =	vld [tilespmem:$0x290];
	_ =	sdelay $0x4  }
0x8d: {  	v41 =	vshll.u32 v3, $0x1  }
0x8e: {  	v3 =	vand.u32 $0x7, v3;
	v4 =	vand.u32 $0xFFFFFFF0, v41  }
0x8f: {  	v3 =	vor.u32 v3, v4  }
0x90: {  	v4 =	vperm.xlane v3, v0;
	_ =	sdelay $0x1  }
0x91: {  	v3 =	vperm.xlane v3, v2;
	v4 =	vadd.s32 v1, v4;
	_ =	sdelay $0x1  }
0x92: {  	v3 =	vadd.s32 v1, v3;
	_ =	sdelay $0x2  }
0x93: {  	[hbm4b:s5+s4] =	stream.indirect_vreg.scatter [tilespmem:s1], [sflag:$0x2], $0x80, v4, vm0, $0xb8;
	[tilespmem:$0x18400] =	vst v63  }
0x94: {  	s29 =	simm.s32 $0x11C00  }
0x95: {  	[hbm4b:s5+s4] =	stream.indirect_vreg.scatter [tilespmem:s29], [sflag:$0x2], $0x80, v3, vm0, $0xb8;
	[tilespmem:$0x18400] =	vst v63  }
0x96: {  	v3 =	vld [tilespmem:$0x2A0];
	_ =	sdelay $0x4  }
0x97: {  	v42 =	vshll.u32 v3, $0x1  }
0x98: {  	v3 =	vand.u32 $0x7, v3;
	v4 =	vand.u32 $0xFFFFFFF0, v42  }
0x99: {  	v3 =	vor.u32 v3, v4  }
0x9a: {  	v4 =	vperm.xlane v3, v0;
	_ =	sdelay $0x1  }
0x9b: {  	v3 =	vperm.xlane v3, v2;
	v4 =	vadd.s32 v1, v4;
	_ =	sdelay $0x1  }
0x9c: {  	v3 =	vadd.s32 v1, v3;
	_ =	sdelay $0x1  }
0x9d: {  	s29 =	simm.s32 $0x12400  }
0x9e: {  	[hbm4b:s5+s4] =	stream.indirect_vreg.scatter [tilespmem:s29], [sflag:$0x2], $0x80, v4, vm0, $0xb8;
	[tilespmem:$0x18400] =	vst v63  }
0x9f: {  	s29 =	simm.s32 $0x12C00  }
0xa0: {  	[hbm4b:s5+s4] =	stream.indirect_vreg.scatter [tilespmem:s29], [sflag:$0x2], $0x80, v3, vm0, $0xb8;
	[tilespmem:$0x18400] =	vst v63  }
0xa1: {  	v3 =	vld [tilespmem:$0x2B0];
	_ =	sdelay $0x4  }
0xa2: {  	v43 =	vshll.u32 v3, $0x1  }
0xa3: {  	v3 =	vand.u32 $0x7, v3;
	v4 =	vand.u32 $0xFFFFFFF0, v43  }
0xa4: {  	v3 =	vor.u32 v3, v4  }
0xa5: {  	v4 =	vperm.xlane v3, v0;
	_ =	sdelay $0x1  }
0xa6: {  	v3 =	vperm.xlane v3, v2;
	v4 =	vadd.s32 v1, v4;
	_ =	sdelay $0x1  }
0xa7: {  	v3 =	vadd.s32 v1, v3;
	_ =	sdelay $0x1  }
0xa8: {  	s29 =	simm.s32 $0x13400  }
0xa9: {  	[hbm4b:s5+s4] =	stream.indirect_vreg.scatter [tilespmem:s29], [sflag:$0x2], $0x80, v4, vm0, $0xb8;
	[tilespmem:$0x18400] =	vst v63  }
0xaa: {  	s29 =	simm.s32 $0x13C00  }
0xab: {  	[hbm4b:s5+s4] =	stream.indirect_vreg.scatter [tilespmem:s29], [sflag:$0x2], $0x80, v3, vm0, $0xb8;
	[tilespmem:$0x18400] =	vst v63  }
0xac: {  	v3 =	vld [tilespmem:$0x2C0];
	_ =	sdelay $0x4  }
0xad: {  	v44 =	vshll.u32 v3, $0x1  }
0xae: {  	v3 =	vand.u32 $0x7, v3;
	v4 =	vand.u32 $0xFFFFFFF0, v44  }
0xaf: {  	v3 =	vor.u32 v3, v4  }
0xb0: {  	v4 =	vperm.xlane v3, v0;
	_ =	sdelay $0x1  }
0xb1: {  	v3 =	vperm.xlane v3, v2;
	v4 =	vadd.s32 v1, v4;
	_ =	sdelay $0x1  }
0xb2: {  	v3 =	vadd.s32 v1, v3;
	_ =	sdelay $0x1  }
0xb3: {  	s29 =	simm.s32 $0x14400  }
0xb4: {  	[hbm4b:s5+s4] =	stream.indirect_vreg.scatter [tilespmem:s29], [sflag:$0x2], $0x80, v4, vm0, $0xb8;
	[tilespmem:$0x18400] =	vst v63  }
0xb5: {  	s29 =	simm.s32 $0x14C00  }
0xb6: {  	[hbm4b:s5+s4] =	stream.indirect_vreg.scatter [tilespmem:s29], [sflag:$0x2], $0x80, v3, vm0, $0xb8;
	[tilespmem:$0x18400] =	vst v63  }
0xb7: {  	v3 =	vld [tilespmem:$0x2D0];
	_ =	sdelay $0x4  }
0xb8: {  	v45 =	vshll.u32 v3, $0x1  }
0xb9: {  	v3 =	vand.u32 $0x7, v3;
	v4 =	vand.u32 $0xFFFFFFF0, v45  }
0xba: {  	v3 =	vor.u32 v3, v4  }
0xbb: {  	v4 =	vperm.xlane v3, v0;
	_ =	sdelay $0x1  }
0xbc: {  	v3 =	vperm.xlane v3, v2;
	v4 =	vadd.s32 v1, v4;
	_ =	sdelay $0x1  }
0xbd: {  	v3 =	vadd.s32 v1, v3;
	_ =	sdelay $0x1  }
0xbe: {  	s29 =	simm.s32 $0x15400  }
0xbf: {  	[hbm4b:s5+s4] =	stream.indirect_vreg.scatter [tilespmem:s29], [sflag:$0x2], $0x80, v4, vm0, $0xb8;
	[tilespmem:$0x18400] =	vst v63  }
0xc0: {  	s29 =	simm.s32 $0x15C00  }
0xc1: {  	[hbm4b:s5+s4] =	stream.indirect_vreg.scatter [tilespmem:s29], [sflag:$0x2], $0x80, v3, vm0, $0xb8;
	[tilespmem:$0x18400] =	vst v63  }
0xc2: {  	v3 =	vld [tilespmem:$0x2E0];
	_ =	sdelay $0x4  }
0xc3: {  	v46 =	vshll.u32 v3, $0x1  }
0xc4: {  	v3 =	vand.u32 $0x7, v3;
	v4 =	vand.u32 $0xFFFFFFF0, v46  }
0xc5: {  	v3 =	vor.u32 v3, v4  }
0xc6: {  	v4 =	vperm.xlane v3, v0;
	_ =	sdelay $0x1  }
0xc7: {  	v3 =	vperm.xlane v3, v2;
	v4 =	vadd.s32 v1, v4;
	_ =	sdelay $0x1  }
0xc8: {  	v3 =	vadd.s32 v1, v3;
	_ =	sdelay $0x1  }
0xc9: {  	s29 =	simm.s32 $0x16400  }
0xca: {  	[hbm4b:s5+s4] =	stream.indirect_vreg.scatter [tilespmem:s29], [sflag:$0x2], $0x80, v4, vm0, $0xb8;
	[tilespmem:$0x18400] =	vst v63  }
0xcb: {  	s29 =	simm.s32 $0x16C00  }
0xcc: {  	[hbm4b:s5+s4] =	stream.indirect_vreg.scatter [tilespmem:s29], [sflag:$0x2], $0x80, v3, vm0, $0xb8;
	[tilespmem:$0x18400] =	vst v63  }
0xcd: {  	v3 =	vld [tilespmem:$0x2F0];
	_ =	sdelay $0x4  }
0xce: {  	v47 =	vshll.u32 v3, $0x1  }
0xcf: {  	v3 =	vand.u32 $0x7, v3;
	v4 =	vand.u32 $0xFFFFFFF0, v47  }
0xd0: {  	v3 =	vor.u32 v3, v4  }
0xd1: {  	v4 =	vperm.xlane v3, v0;
	_ =	sdelay $0x1  }
0xd2: {  	v3 =	vperm.xlane v3, v2;
	v4 =	vadd.s32 v1, v4;
	_ =	sdelay $0x1  }
0xd3: {  	v3 =	vadd.s32 v1, v3;
	_ =	sdelay $0x1  }
0xd4: {  	s29 =	simm.s32 $0x17400  }
0xd5: {  	[hbm4b:s5+s4] =	stream.indirect_vreg.scatter [tilespmem:s29], [sflag:$0x2], $0x80, v4, vm0, $0xb8;
	[tilespmem:$0x18400] =	vst v63  }
0xd6: {  	s29 =	simm.s32 $0x17C00  }
0xd7: {  	[hbm4b:s5+s4] =	stream.indirect_vreg.scatter [tilespmem:s29], [sflag:$0x2], $0x80, v3, vm0, $0xb8;
	[tilespmem:$0x18400] =	vst v63  }
0xd8: {  	_ =	swait.ge [sflag:s13], $0x4000  }
0xd9: {  	[sflag:s13] =	ssyncset.done $0x0  }
0xda: {  	[sflag:s13] =	ssyncadd.s32 $0xFFFFC000  }
0xdb: {  	_ =	swait.ge [sflag:s14], $0x8000  }
0xdc: {  	[sflag:s14] =	ssyncset.done $0x0  }
0xdd: {  	[sflag:s14] =	ssyncadd.s32 $0xFFFF8000  }
0xde: {  	_ =	swait.ge [sflag:s13], $0x4000  }
0xdf: {  	[sflag:s13] =	ssyncset.done $0x0  }
0xe0: {  	[sflag:s13] =	ssyncadd.s32 $0xFFFFC000  }
0xe1: {  	_ =	swait.ge [sflag:s14], $0x8000  }
0xe2: {  	[sflag:s14] =	ssyncset.done $0x0  }
0xe3: {  	s28 =	rddreg [dreg:$0x9];
	[sflag:s14] =	ssyncadd.s32 $0xFFFF8000  }
0xe4: {  	[tilespmem:s11], [sflag:$0x1] =	stream.indirect.gather [hbm4b:s3+s9], $0x80, s28, s9, $0xb8;
	[tilespmem:$0x18400] =	vst v63  }
0xe5: {  	s29 =	rddreg [dreg:$0xa]  }
0xe6: {  	[tilespmem:s12], [sflag:$0x1] =	stream.indirect.gather [hbm4b:s3+s9], $0x80, s29, s9, $0xb8;
	[tilespmem:$0x18400] =	vst v63  }
0xe7: {  	s28 =	rddreg [dreg:$0x7]  }
0xe8: {  	[tilespmem:s7], [sflag:$0x2] =	stream.linear.gather [hbm4b:s28+s4], $0x10000, $0x38;
	[tilespmem:$0x18400] =	vst v63  }
0xe9: {  	_ =	swait.ge [sflag:s13], $0x4000  }
0xea: {  	[sflag:s13] =	ssyncset.done $0x0  }
0xeb: {  	[sflag:s13] =	ssyncadd.s32 $0xFFFFC000  }
0xec: {  	_ =	swait.ge [sflag:s13], $0x4000  }
0xed: {  	[sflag:s13] =	ssyncset.done $0x0  }
0xee: {  	s28 =	rddreg [dreg:$0xb];
	[sflag:s13] =	ssyncadd.s32 $0xFFFFC000  }
0xef: {  	[hbm4b:s10+s9] =	stream.indirect.scatter [tilespmem:s11], [sflag:$0x1], $0x80, s28, s9, $0xb8;
	[tilespmem:$0x18400] =	vst v63  }
0xf0: {  	s3 =	rddreg [dreg:$0xc]  }
0xf1: {  	[hbm4b:s10+s9] =	stream.indirect.scatter [tilespmem:s12], [sflag:$0x1], $0x80, s3, s9, $0xb8;
	[tilespmem:$0x18400] =	vst v63  }
0xf2: {  	_ =	swait.ge [sflag:s14], $0x10000  }
0xf3: {  	[sflag:s14] =	ssyncset.done $0x0  }
0xf4: {  	[sflag:s14] =	ssyncadd.s32 $0xFFFF0000  }
0xf5: {  	v3 =	vld [tilespmem:$0x300];
	_ =	sdelay $0x4  }
0xf6: {  	v48 =	vshll.u32 v3, $0x1  }
0xf7: {  	v3 =	vand.u32 $0x7, v3;
	v4 =	vand.u32 $0xFFFFFFF0, v48  }
0xf8: {  	v3 =	vor.u32 v3, v4  }
0xf9: {  	v4 =	vperm.xlane v3, v0;
	_ =	sdelay $0x1  }
0xfa: {  	v3 =	vperm.xlane v3, v2;
	v4 =	vadd.s32 v1, v4;
	_ =	sdelay $0x1  }
0xfb: {  	v3 =	vadd.s32 v1, v3;
	_ =	sdelay $0x2  }
0xfc: {  	[hbm4b:s5+s4] =	stream.indirect_vreg.scatter [tilespmem:s7], [sflag:$0x2], $0x80, v4, vm0, $0xb8;
	[tilespmem:$0x18400] =	vst v63  }
0xfd: {  	_ = 	snop  }
0xfe: {  	[hbm4b:s5+s4] =	stream.indirect_vreg.scatter [tilespmem:s30], [sflag:$0x2], $0x80, v3, vm0, $0xb8;
	[tilespmem:$0x18400] =	vst v63  }
0xff: {  	v3 =	vld [tilespmem:$0x310];
	_ =	sdelay $0x4  }
0x100: {  	v49 =	vshll.u32 v3, $0x1  }
0x101: {  	v3 =	vand.u32 $0x7, v3;
	v4 =	vand.u32 $0xFFFFFFF0, v49  }
0x102: {  	v3 =	vor.u32 v3, v4  }
0x103: {  	v4 =	vperm.xlane v3, v0;
	_ =	sdelay $0x1  }
0x104: {  	v3 =	vperm.xlane v3, v2;
	v4 =	vadd.s32 v1, v4;
	_ =	sdelay $0x1  }
0x105: {  	v3 =	vadd.s32 v1, v3;
	_ =	sdelay $0x2  }
0x106: {  	[hbm4b:s5+s4] =	stream.indirect_vreg.scatter [tilespmem:s31], [sflag:$0x2], $0x80, v4, vm0, $0xb8;
	[tilespmem:$0x18400] =	vst v63  }
0x107: {  	_ = 	snop  }
0x108: {  	[hbm4b:s5+s4] =	stream.indirect_vreg.scatter [tilespmem:s0], [sflag:$0x2], $0x80, v3, vm0, $0xb8;
	[tilespmem:$0x18400] =	vst v63  }
0x109: {  	v3 =	vld [tilespmem:$0x320];
	_ =	sdelay $0x4  }
0x10a: {  	v50 =	vshll.u32 v3, $0x1  }
0x10b: {  	v3 =	vand.u32 $0x7, v3;
	v4 =	vand.u32 $0xFFFFFFF0, v50  }
0x10c: {  	v3 =	vor.u32 v3, v4  }
0x10d: {  	v4 =	vperm.xlane v3, v0;
	_ =	sdelay $0x1  }
0x10e: {  	v3 =	vperm.xlane v3, v2;
	v4 =	vadd.s32 v1, v4;
	_ =	sdelay $0x1  }
0x10f: {  	v3 =	vadd.s32 v1, v3;
	_ =	sdelay $0x2  }
0x110: {  	[hbm4b:s5+s4] =	stream.indirect_vreg.scatter [tilespmem:s2], [sflag:$0x2], $0x80, v4, vm0, $0xb8;
	[tilespmem:$0x18400] =	vst v63  }
0x111: {  	_ = 	snop  }
0x112: {  	[hbm4b:s5+s4] =	stream.indirect_vreg.scatter [tilespmem:s8], [sflag:$0x2], $0x80, v3, vm0, $0xb8;
	[tilespmem:$0x18400] =	vst v63  }
0x113: {  	v3 =	vld [tilespmem:$0x330];
	_ =	sdelay $0x4  }
0x114: {  	v51 =	vshll.u32 v3, $0x1  }
0x115: {  	v3 =	vand.u32 $0x7, v3;
	v4 =	vand.u32 $0xFFFFFFF0, v51  }
0x116: {  	v3 =	vor.u32 v3, v4  }
0x117: {  	v4 =	vperm.xlane v3, v0;
	_ =	sdelay $0x1  }
0x118: {  	v3 =	vperm.xlane v3, v2;
	v4 =	vadd.s32 v1, v4;
	_ =	sdelay $0x1  }
0x119: {  	v3 =	vadd.s32 v1, v3;
	_ =	sdelay $0x2  }
0x11a: {  	[hbm4b:s5+s4] =	stream.indirect_vreg.scatter [tilespmem:s15], [sflag:$0x2], $0x80, v4, vm0, $0xb8;
	[tilespmem:$0x18400] =	vst v63  }
0x11b: {  	_ = 	snop  }
0x11c: {  	[hbm4b:s5+s4] =	stream.indirect_vreg.scatter [tilespmem:s16], [sflag:$0x2], $0x80, v3, vm0, $0xb8;
	[tilespmem:$0x18400] =	vst v63  }
0x11d: {  	v3 =	vld [tilespmem:$0x340];
	_ =	sdelay $0x4  }
0x11e: {  	v52 =	vshll.u32 v3, $0x1  }
0x11f: {  	v3 =	vand.u32 $0x7, v3;
	v4 =	vand.u32 $0xFFFFFFF0, v52  }
0x120: {  	v3 =	vor.u32 v3, v4  }
0x121: {  	v4 =	vperm.xlane v3, v0;
	_ =	sdelay $0x1  }
0x122: {  	v3 =	vperm.xlane v3, v2;
	v4 =	vadd.s32 v1, v4;
	_ =	sdelay $0x1  }
0x123: {  	v3 =	vadd.s32 v1, v3;
	_ =	sdelay $0x2  }
0x124: {  	[hbm4b:s5+s4] =	stream.indirect_vreg.scatter [tilespmem:s17], [sflag:$0x2], $0x80, v4, vm0, $0xb8;
	[tilespmem:$0x18400] =	vst v63  }
0x125: {  	_ = 	snop  }
0x126: {  	[hbm4b:s5+s4] =	stream.indirect_vreg.scatter [tilespmem:s18], [sflag:$0x2], $0x80, v3, vm0, $0xb8;
	[tilespmem:$0x18400] =	vst v63  }
0x127: {  	v3 =	vld [tilespmem:$0x350];
	_ =	sdelay $0x4  }
0x128: {  	v53 =	vshll.u32 v3, $0x1  }
0x129: {  	v3 =	vand.u32 $0x7, v3;
	v4 =	vand.u32 $0xFFFFFFF0, v53  }
0x12a: {  	v3 =	vor.u32 v3, v4  }
0x12b: {  	v4 =	vperm.xlane v3, v0;
	_ =	sdelay $0x1  }
0x12c: {  	v3 =	vperm.xlane v3, v2;
	v4 =	vadd.s32 v1, v4;
	_ =	sdelay $0x1  }
0x12d: {  	v3 =	vadd.s32 v1, v3;
	_ =	sdelay $0x2  }
0x12e: {  	[hbm4b:s5+s4] =	stream.indirect_vreg.scatter [tilespmem:s19], [sflag:$0x2], $0x80, v4, vm0, $0xb8;
	[tilespmem:$0x18400] =	vst v63  }
0x12f: {  	_ = 	snop  }
0x130: {  	[hbm4b:s5+s4] =	stream.indirect_vreg.scatter [tilespmem:s20], [sflag:$0x2], $0x80, v3, vm0, $0xb8;
	[tilespmem:$0x18400] =	vst v63  }
0x131: {  	v3 =	vld [tilespmem:$0x360];
	_ =	sdelay $0x4  }
0x132: {  	v54 =	vshll.u32 v3, $0x1  }
0x133: {  	v3 =	vand.u32 $0x7, v3;
	v4 =	vand.u32 $0xFFFFFFF0, v54  }
0x134: {  	v3 =	vor.u32 v3, v4  }
0x135: {  	v4 =	vperm.xlane v3, v0;
	_ =	sdelay $0x1  }
0x136: {  	v3 =	vperm.xlane v3, v2;
	v4 =	vadd.s32 v1, v4;
	_ =	sdelay $0x1  }
0x137: {  	v3 =	vadd.s32 v1, v3;
	_ =	sdelay $0x2  }
0x138: {  	[hbm4b:s5+s4] =	stream.indirect_vreg.scatter [tilespmem:s21], [sflag:$0x2], $0x80, v4, vm0, $0xb8;
	[tilespmem:$0x18400] =	vst v63  }
0x139: {  	_ = 	snop  }
0x13a: {  	[hbm4b:s5+s4] =	stream.indirect_vreg.scatter [tilespmem:s22], [sflag:$0x2], $0x80, v3, vm0, $0xb8;
	[tilespmem:$0x18400] =	vst v63  }
0x13b: {  	v3 =	vld [tilespmem:$0x370];
	_ =	sdelay $0x4  }
0x13c: {  	v55 =	vshll.u32 v3, $0x1  }
0x13d: {  	v3 =	vand.u32 $0x7, v3;
	v4 =	vand.u32 $0xFFFFFFF0, v55  }
0x13e: {  	v3 =	vor.u32 v3, v4  }
0x13f: {  	v4 =	vperm.xlane v3, v0;
	_ =	sdelay $0x1  }
0x140: {  	v3 =	vperm.xlane v3, v2;
	v4 =	vadd.s32 v1, v4;
	_ =	sdelay $0x1  }
0x141: {  	v3 =	vadd.s32 v1, v3;
	_ =	sdelay $0x2  }
0x142: {  	[hbm4b:s5+s4] =	stream.indirect_vreg.scatter [tilespmem:s23], [sflag:$0x2], $0x80, v4, vm0, $0xb8;
	[tilespmem:$0x18400] =	vst v63  }
0x143: {  	_ = 	snop  }
0x144: {  	[hbm4b:s5+s4] =	stream.indirect_vreg.scatter [tilespmem:s24], [sflag:$0x2], $0x80, v3, vm0, $0xb8;
	[tilespmem:$0x18400] =	vst v63  }
0x145: {  	v3 =	vld [tilespmem:$0x380];
	_ =	sdelay $0x4  }
0x146: {  	v56 =	vshll.u32 v3, $0x1  }
0x147: {  	v3 =	vand.u32 $0x7, v3;
	v4 =	vand.u32 $0xFFFFFFF0, v56  }
0x148: {  	v3 =	vor.u32 v3, v4  }
0x149: {  	v4 =	vperm.xlane v3, v0;
	_ =	sdelay $0x1  }
0x14a: {  	v3 =	vperm.xlane v3, v2;
	v4 =	vadd.s32 v1, v4;
	_ =	sdelay $0x1  }
0x14b: {  	v3 =	vadd.s32 v1, v3;
	_ =	sdelay $0x2  }
0x14c: {  	[hbm4b:s5+s4] =	stream.indirect_vreg.scatter [tilespmem:s25], [sflag:$0x2], $0x80, v4, vm0, $0xb8;
	[tilespmem:$0x18400] =	vst v63  }
0x14d: {  	_ = 	snop  }
0x14e: {  	[hbm4b:s5+s4] =	stream.indirect_vreg.scatter [tilespmem:s26], [sflag:$0x2], $0x80, v3, vm0, $0xb8;
	[tilespmem:$0x18400] =	vst v63  }
0x14f: {  	v3 =	vld [tilespmem:$0x390];
	_ =	sdelay $0x4  }
0x150: {  	v57 =	vshll.u32 v3, $0x1  }
0x151: {  	v3 =	vand.u32 $0x7, v3;
	v4 =	vand.u32 $0xFFFFFFF0, v57  }
0x152: {  	v3 =	vor.u32 v3, v4  }
0x153: {  	v4 =	vperm.xlane v3, v0;
	_ =	sdelay $0x1  }
0x154: {  	v3 =	vperm.xlane v3, v2;
	v4 =	vadd.s32 v1, v4;
	_ =	sdelay $0x1  }
0x155: {  	v3 =	vadd.s32 v1, v3;
	_ =	sdelay $0x2  }
0x156: {  	[hbm4b:s5+s4] =	stream.indirect_vreg.scatter [tilespmem:s1], [sflag:$0x2], $0x80, v4, vm0, $0xb8;
	[tilespmem:$0x18400] =	vst v63  }
0x157: {  	s29 =	simm.s32 $0x11C00  }
0x158: {  	[hbm4b:s5+s4] =	stream.indirect_vreg.scatter [tilespmem:s29], [sflag:$0x2], $0x80, v3, vm0, $0xb8;
	[tilespmem:$0x18400] =	vst v63  }
0x159: {  	v3 =	vld [tilespmem:$0x3A0];
	_ =	sdelay $0x4  }
0x15a: {  	v58 =	vshll.u32 v3, $0x1  }
0x15b: {  	v3 =	vand.u32 $0x7, v3;
	v4 =	vand.u32 $0xFFFFFFF0, v58  }
0x15c: {  	v3 =	vor.u32 v3, v4  }
0x15d: {  	v4 =	vperm.xlane v3, v0;
	_ =	sdelay $0x1  }
0x15e: {  	v3 =	vperm.xlane v3, v2;
	v4 =	vadd.s32 v1, v4;
	_ =	sdelay $0x1  }
0x15f: {  	v3 =	vadd.s32 v1, v3;
	_ =	sdelay $0x1  }
0x160: {  	s3 =	simm.s32 $0x12400  }
0x161: {  	[hbm4b:s5+s4] =	stream.indirect_vreg.scatter [tilespmem:s3], [sflag:$0x2], $0x80, v4, vm0, $0xb8;
	[tilespmem:$0x18400] =	vst v63  }
0x162: {  	s10 =	simm.s32 $0x12C00  }
0x163: {  	[hbm4b:s5+s4] =	stream.indirect_vreg.scatter [tilespmem:s10], [sflag:$0x2], $0x80, v3, vm0, $0xb8;
	[tilespmem:$0x18400] =	vst v63  }
0x164: {  	v3 =	vld [tilespmem:$0x3B0];
	_ =	sdelay $0x4  }
0x165: {  	v59 =	vshll.u32 v3, $0x1  }
0x166: {  	v3 =	vand.u32 $0x7, v3;
	v4 =	vand.u32 $0xFFFFFFF0, v59  }
0x167: {  	v3 =	vor.u32 v3, v4  }
0x168: {  	v4 =	vperm.xlane v3, v0;
	_ =	sdelay $0x1  }
0x169: {  	v3 =	vperm.xlane v3, v2;
	v4 =	vadd.s32 v1, v4;
	_ =	sdelay $0x1  }
0x16a: {  	v3 =	vadd.s32 v1, v3;
	_ =	sdelay $0x1  }
0x16b: {  	s28 =	simm.s32 $0x13400  }
0x16c: {  	[hbm4b:s5+s4] =	stream.indirect_vreg.scatter [tilespmem:s28], [sflag:$0x2], $0x80, v4, vm0, $0xb8;
	[tilespmem:$0x18400] =	vst v63  }
0x16d: {  	s29 =	simm.s32 $0x13C00  }
0x16e: {  	[hbm4b:s5+s4] =	stream.indirect_vreg.scatter [tilespmem:s29], [sflag:$0x2], $0x80, v3, vm0, $0xb8;
	[tilespmem:$0x18400] =	vst v63  }
0x16f: {  	v3 =	vld [tilespmem:$0x3C0];
	_ =	sdelay $0x4  }
0x170: {  	v60 =	vshll.u32 v3, $0x1  }
0x171: {  	v3 =	vand.u32 $0x7, v3;
	v4 =	vand.u32 $0xFFFFFFF0, v60  }
0x172: {  	v3 =	vor.u32 v3, v4  }
0x173: {  	v4 =	vperm.xlane v3, v0;
	_ =	sdelay $0x1  }
0x174: {  	v3 =	vperm.xlane v3, v2;
	v4 =	vadd.s32 v1, v4;
	_ =	sdelay $0x1  }
0x175: {  	v3 =	vadd.s32 v1, v3;
	_ =	sdelay $0x1  }
0x176: {  	s3 =	simm.s32 $0x14400  }
0x177: {  	[hbm4b:s5+s4] =	stream.indirect_vreg.scatter [tilespmem:s3], [sflag:$0x2], $0x80, v4, vm0, $0xb8;
	[tilespmem:$0x18400] =	vst v63  }
0x178: {  	s10 =	simm.s32 $0x14C00  }
0x179: {  	[hbm4b:s5+s4] =	stream.indirect_vreg.scatter [tilespmem:s10], [sflag:$0x2], $0x80, v3, vm0, $0xb8;
	[tilespmem:$0x18400] =	vst v63  }
0x17a: {  	v3 =	vld [tilespmem:$0x3D0];
	_ =	sdelay $0x4  }
0x17b: {  	v61 =	vshll.u32 v3, $0x1  }
0x17c: {  	v3 =	vand.u32 $0x7, v3;
	v4 =	vand.u32 $0xFFFFFFF0, v61  }
0x17d: {  	v3 =	vor.u32 v3, v4  }
0x17e: {  	v4 =	vperm.xlane v3, v0;
	_ =	sdelay $0x1  }
0x17f: {  	v3 =	vperm.xlane v3, v2;
	v4 =	vadd.s32 v1, v4;
	_ =	sdelay $0x1  }
0x180: {  	v3 =	vadd.s32 v1, v3;
	_ =	sdelay $0x1  }
0x181: {  	s28 =	simm.s32 $0x15400  }
0x182: {  	[hbm4b:s5+s4] =	stream.indirect_vreg.scatter [tilespmem:s28], [sflag:$0x2], $0x80, v4, vm0, $0xb8;
	[tilespmem:$0x18400] =	vst v63  }
0x183: {  	s29 =	simm.s32 $0x15C00  }
0x184: {  	[hbm4b:s5+s4] =	stream.indirect_vreg.scatter [tilespmem:s29], [sflag:$0x2], $0x80, v3, vm0, $0xb8;
	[tilespmem:$0x18400] =	vst v63  }
0x185: {  	v3 =	vld [tilespmem:$0x3E0];
	_ =	sdelay $0x4  }
0x186: {  	v62 =	vshll.u32 v3, $0x1  }
0x187: {  	v3 =	vand.u32 $0x7, v3;
	v4 =	vand.u32 $0xFFFFFFF0, v62  }
0x188: {  	v3 =	vor.u32 v3, v4  }
0x189: {  	v4 =	vperm.xlane v3, v0;
	_ =	sdelay $0x1  }
0x18a: {  	v3 =	vperm.xlane v3, v2;
	v4 =	vadd.s32 v1, v4;
	_ =	sdelay $0x1  }
0x18b: {  	v3 =	vadd.s32 v1, v3;
	_ =	sdelay $0x1  }
0x18c: {  	s3 =	simm.s32 $0x16400  }
0x18d: {  	[hbm4b:s5+s4] =	stream.indirect_vreg.scatter [tilespmem:s3], [sflag:$0x2], $0x80, v4, vm0, $0xb8;
	[tilespmem:$0x18400] =	vst v63  }
0x18e: {  	s10 =	simm.s32 $0x16C00  }
0x18f: {  	[hbm4b:s5+s4] =	stream.indirect_vreg.scatter [tilespmem:s10], [sflag:$0x2], $0x80, v3, vm0, $0xb8;
	[tilespmem:$0x18400] =	vst v63  }
0x190: {  	v3 =	vld [tilespmem:$0x3F0];
	_ =	sdelay $0x4  }
0x191: {  	v63 =	vshll.u32 v3, $0x1  }
0x192: {  	v3 =	vand.u32 $0x7, v3;
	v4 =	vand.u32 $0xFFFFFFF0, v63  }
0x193: {  	v3 =	vor.u32 v3, v4  }
0x194: {  	v4 =	vperm.xlane v3, v0;
	_ =	sdelay $0x1  }
0x195: {  	v3 =	vperm.xlane v3, v2;
	v4 =	vadd.s32 v1, v4;
	_ =	sdelay $0x1  }
0x196: {  	v3 =	vadd.s32 v1, v3;
	_ =	sdelay $0x1  }
0x197: {  	s28 =	simm.s32 $0x17400  }
0x198: {  	[hbm4b:s5+s4] =	stream.indirect_vreg.scatter [tilespmem:s28], [sflag:$0x2], $0x80, v4, vm0, $0xb8;
	[tilespmem:$0x18400] =	vst v63  }
0x199: {  	s29 =	simm.s32 $0x17C00  }
0x19a: {  	[hbm4b:s5+s4] =	stream.indirect_vreg.scatter [tilespmem:s29], [sflag:$0x2], $0x80, v3, vm0, $0xb8;
	[tilespmem:$0x18400] =	vst v63  }
0x19b: {  	_ =	swait.ge [sflag:s13], $0x4000  }
0x19c: {  	[sflag:s13] =	ssyncset.done $0x0  }
0x19d: {  	[sflag:s13] =	ssyncadd.s32 $0xFFFFC000  }
0x19e: {  	_ =	swait.ge [sflag:s14], $0x8000  }
0x19f: {  	[sflag:s14] =	ssyncset.done $0x0  }
0x1a0: {  	[sflag:s14] =	ssyncadd.s32 $0xFFFF8000  }
0x1a1: {  	p0 =	sne.s32 s6, $0x1;
	_ =	swait.ge [sflag:s13], $0x4000  }
.Ltmp0:
0x1a2: {  	[sflag:s13] =	ssyncset.done $0x0;
	(pc) =	sbr.rel @p0 .LBB2_1-.Ltmp0, $4  }
0x1a3: {  	[sflag:s13] =	ssyncadd.s32 $0xFFFFC000  }
0x1a4: {  	_ =	swait.ge [sflag:s14], $0x8000  }
0x1a5: {  	[sflag:s14] =	ssyncset.done $0x0  }
0x1a6: {  	s6 =	sadd.s32 $0xFFFFFFFF, s6;
	[sflag:s14] =	ssyncadd.s32 $0xFFFF8000  }
0x1a7: {  	_ =	sfence.sel $0x180000  }
0x1a8: {  	[bflag:$0x0] =	sbarrier.arrive $0xFFFF  }
0x1a9: {  	_ =	strace $0x90000047  }
0x1aa: {  	s0 =	stileid.u32;
	[bflag:$0x2] =	sbarrier.arrive $0xFFFF  }
0x1ab: {  	p0 =	sne.s32 s0, $0x0;
	s0 =	rddreg [dreg:$0x3]  }
0x1ac: {  	s0 =	sadd.s32 @!p0 $0x100000, s0  }
0x1ad: {  	[sflag:s0] =	ssyncadd.tile.s32 @!p0 $0x1;
	_ =	shalt  }
.Lfunc_end2:
_tile_overlayer_lowered:
.L_overlay_start_2:
0x1ae: {  	(tag) =	ssettag $0x2  }
0x1af: {  	s0 =	rddreg [dreg:$0x0];
	s2 =	stileid.u32  }
0x1b0: {  	s1 =	rddreg [dreg:$0x1];
	p0 =	sne.s32 s2, $0x0  }
0x1b1: {  	s3 =	rddreg [dreg:$0x2];
	[bflag:$0x3] =	sbarrier.arrive $0xFFFF;
	s2 =	simm.s32 @!p0 $0x1C03  }
0x1b2: {  	[timem:s3], [sflag:s2] =	dma.local @!p0 [hbm:s0], s1  }
0x1b3: {  	s0 =	simm.s32 @!p0 $0x3  }
0x1b4: {  	_ =	swait.ge @!p0 [sflag:s0], s1  }
0x1b5: {  	s1 =	ssub.s32 @!p0 $0x0, s1;
	[sflag:s0] =	ssyncset.done @!p0 $0x0  }
0x1b6: {  	[sflag:s0] =	ssyncadd.s32 @!p0 s1  }
0x1b7: {  	[bflag:$0x3] =	sbarrier.arrive $0xFFFF  }
0x1b8: {  	_ =	shalt  }

</sc_bundles>
